<compile_context>
chip_gen: v7x
topology: tpu7x:2x2x1
jax: 0.10.2.dev20260603
libtpu: 0.0.44.dev20260713+nightly
codegen_flags: <defaults>
</compile_context>

<pallas_src>
import functools

import jax
import jax.numpy as jnp
from jax import lax
from jax.experimental import pallas as pl
from jax.experimental.pallas import tpu as pltpu
from jax.experimental.pallas import tpu_sc as plsc

N = 10000
E = 160000
D = 256
C = 256
K = 16

NSC = 2
NSUB = 16
CH = C // NSC
EPS = E // NSUB
CHUNK = 80
NCHUNK = EPS // CHUNK
AGG_ROWS = 10240
RPS = AGG_ROWS // NSUB


def _h_body(x_ref, w1_ref, h_ref):
    hb = jnp.dot(x_ref[...], w1_ref[...], preferred_element_type=jnp.float32)
    h_ref[0] = hb[:, :CH]
    h_ref[1] = hb[:, CH:]


def _h_split(x, W1, rb=1000):
    nb = N // rb
    return pl.pallas_call(
        _h_body,
        grid=(nb,),
        in_specs=[
            pl.BlockSpec((rb, D), lambda i: (i, 0)),
            pl.BlockSpec((D, C), lambda i: (0, 0)),
        ],
        out_specs=pl.BlockSpec((NSC, rb, CH), lambda i: (0, i, 0)),
        out_shape=jax.ShapeDtypeStruct((NSC, N, CH), jnp.float32),
    )(x, W1).reshape(NSC * N, CH)


def _sc_body(ei_hbm, h_hbm, out_hbm, agg_sh, dst_v,
             i0, i1, i2, r0, r1, r2,
             si0, si1, si2, sg0, sg1, sg2, ss0, ss1, ss2):
    c = lax.axis_index("c")
    s = lax.axis_index("s")
    off = c * N
    bufs = [(i0, si0, r0, sg0, ss0),
            (i1, si1, r1, sg1, ss1),
            (i2, si2, r2, sg2, ss2)]

    def src_load(j, iref, sem):
        pltpu.async_copy(ei_hbm.at[0, s, j], iref, sem)

    def src_ready(j, iref, sem):
        pltpu.make_async_copy(ei_hbm.at[0, s, j], iref, sem).wait()
        for k in range(CHUNK // 16):
            iref[0, pl.ds(k * 16, 16)] += off

    def gather_start(iref, rows, sem):
        pltpu.async_copy(h_hbm.at[iref.at[0]], rows, sem)

    def gather_wait(iref, rows, sem):
        pltpu.make_async_copy(h_hbm.at[iref.at[0]], rows, sem).wait()

    def scat_start(j, rows, sem):
        pltpu.async_copy(rows, agg_sh.at[dst_v.at[j, 0]], sem, add=True)

    def scat_wait(j, rows, sem):
        pltpu.make_async_copy(rows, agg_sh.at[dst_v.at[j, 0]], sem).wait()

    pltpu.sync_copy(ei_hbm.at[1, s], dst_v)

    @pl.loop(0, CHUNK)
    def _(i):
        for k in range(CH // 16):
            r0[i, pl.ds(k * 16, 16)] = jnp.zeros((16,), jnp.float32)

    @pl.loop(0, RPS // CHUNK)
    def _(r):
        pltpu.sync_copy(r0, agg_sh.at[pl.ds(s * RPS + r * CHUNK, CHUNK)])

    plsc.subcore_barrier()

    def substep(j, m):
        i_j, si_j, r_j, sg_j, ss_j = bufs[m]
        i_p, si_p, r_p, sg_p, ss_p = bufs[(m + 2) % 3]

        @pl.when(j > 0)
        def _():
            scat_wait(j - 1, r_p, ss_p)

        src_ready(j + 2, i_p, si_p)
        gather_start(i_p, r_p, sg_p)
        gather_wait(i_j, r_j, sg_j)
        scat_start(j, r_j, ss_j)

        @pl.when(j + 3 < NCHUNK)
        def _():
            src_load(j + 3, i_j, si_j)

    src_load(0, i0, si0)
    src_load(1, i1, si1)
    src_load(2, i2, si2)
    src_ready(0, i0, si0)
    gather_start(i0, r0, sg0)
    src_ready(1, i1, si1)
    gather_start(i1, r1, sg1)

    @pl.loop(0, (NCHUNK - 2) // 3)
    def _(q):
        j = 3 * q
        substep(j, 0)
        substep(j + 1, 1)
        substep(j + 2, 2)

    J = NCHUNK - 2
    scat_wait(J - 1, r2, ss2)
    gather_wait(i0, r0, sg0)
    scat_start(J, r0, ss0)
    gather_wait(i1, r1, sg1)
    scat_wait(J, r0, ss0)
    pltpu.sync_copy(r1, agg_sh.at[dst_v.at[J + 1, 0]], add=True)

    plsc.subcore_barrier()

    wbase = s * 624
    pltpu.sync_copy(agg_sh.at[pl.ds(wbase, 624)],
                    out_hbm.at[pl.ds(c * N + wbase, 624)])

    @pl.when(s == NSUB - 1)
    def _():
        pltpu.sync_copy(agg_sh.at[pl.ds(624 * NSUB, N - 624 * NSUB)],
                        out_hbm.at[pl.ds(c * N + 624 * NSUB, N - 624 * NSUB)])


@functools.partial(
    pl.kernel,
    out_type=jax.ShapeDtypeStruct((NSC * N, CH), jnp.float32),
    mesh=plsc.VectorSubcoreMesh(core_axis_name="c", subcore_axis_name="s"),
    scratch_types=(
        [pltpu.VMEM_SHARED((AGG_ROWS, CH), jnp.float32),
         pltpu.VMEM((NCHUNK, 1, CHUNK), jnp.int32)]
        + [pltpu.VMEM((1, CHUNK), jnp.int32)] * 3
        + [pltpu.VMEM((CHUNK, CH), jnp.float32)] * 3
        + [pltpu.SemaphoreType.DMA] * 9
    ),
)
def _sc_scatter(ei_hbm, h_hbm, out_hbm, agg_sh, dst_v,
                i0, i1, i2, r0, r1, r2,
                si0, si1, si2, sg0, sg1, sg2, ss0, ss1, ss2):
    _sc_body(ei_hbm, h_hbm, out_hbm, agg_sh, dst_v,
             i0, i1, i2, r0, r1, r2,
             si0, si1, si2, sg0, sg1, sg2, ss0, ss1, ss2)


def _skip_body(x_ref, w2_ref, s_ref):
    s_ref[...] = jnp.dot(x_ref[...], w2_ref[...],
                         preferred_element_type=jnp.float32)


def _skip(x, W2, rb=1000):
    nb = N // rb
    return pl.pallas_call(
        _skip_body,
        grid=(nb,),
        in_specs=[
            pl.BlockSpec((rb, D), lambda i: (i, 0)),
            pl.BlockSpec((D, C), lambda i: (0, 0)),
        ],
        out_specs=pl.BlockSpec((rb, C), lambda i: (i, 0)),
        out_shape=jax.ShapeDtypeStruct((N, C), jnp.float32),
    )(x, W2)


def _out_body(agg_ref, sk_ref, b_ref, ws_ref, bs_ref, o_ref):
    agg = jnp.concatenate([agg_ref[0], agg_ref[1]], axis=-1)
    t = agg + sk_ref[...] + b_ref[...]
    t = jnp.where(t > 0, t, jnp.exp(jnp.minimum(t, 0.0)) - 1.0)
    z = jnp.dot(t, ws_ref[...], preferred_element_type=jnp.float32) + bs_ref[...]
    m = jnp.max(z, axis=-1, keepdims=True)
    e = jnp.exp(z - m)
    o_ref[...] = e / jnp.sum(e, axis=-1, keepdims=True)


def _finish(agg_split, skip, b, Ws, bs, rb=1000):
    nb = N // rb
    return pl.pallas_call(
        _out_body,
        grid=(nb,),
        in_specs=[
            pl.BlockSpec((NSC, rb, CH), lambda i: (0, i, 0)),
            pl.BlockSpec((rb, C), lambda i: (i, 0)),
            pl.BlockSpec((1, C), lambda i: (0, 0)),
            pl.BlockSpec((C, K), lambda i: (0, 0)),
            pl.BlockSpec((1, K), lambda i: (0, 0)),
        ],
        out_specs=pl.BlockSpec((rb, K), lambda i: (i, 0)),
        out_shape=jax.ShapeDtypeStruct((N, K), jnp.float32),
    )(agg_split.reshape(NSC, N, CH), skip, b.reshape(1, C), Ws,
      bs.reshape(1, K))


def kernel(x, edge_index, W1, W2, b, Ws, bs):
    ei5 = edge_index.reshape(2, NSUB, NCHUNK, 1, CHUNK)

    h_split = _h_split(x, W1)
    agg_split = _sc_scatter(ei5, h_split)
    skip = _skip(x, W2)
    return _finish(agg_split, skip, b, Ws, bs)

# --- scband reference (transcript-rebuilt; emitter-appended) ---
"""Pipeline reference for scband-gnnclustering-40054865002837 (READ-ONLY COPY).

The authoritative reference and input builder live on the scoring server;
editing this copy changes nothing except your own understanding.
"""

import jax, jax.numpy as jnp
import numpy as np

N = 10000   # n_nodes
E = 160000  # n_edges (avg_degree=16)
D = 256     # d_feat (in_channels)
C = 256     # mp_layers[0] (GCSConv out channels)
K = 16      # num_clusters


def setup_inputs(seed: int = 0) -> dict:
    key = jax.random.key(seed)
    ks = jax.random.split(key, 8)
    x = jax.random.normal(ks[0], (N, D), dtype=jnp.float32)
    edge_index = jax.random.randint(ks[1], (2, E), 0, N, dtype=jnp.int32)
    # GCSConv parameters (he_normal init): kernel_1 (propagated path), kernel_2 (skip), bias
    W1 = jax.random.normal(ks[2], (D, C), dtype=jnp.float32) * np.sqrt(2.0 / D)
    W2 = jax.random.normal(ks[3], (D, C), dtype=jnp.float32) * np.sqrt(2.0 / D)
    b = jnp.zeros((C,), dtype=jnp.float32)
    # MinCutPool selection MLP (mlp_hidden=None -> single Dense to num_clusters + softmax)
    Ws = jax.random.normal(ks[4], (C, K), dtype=jnp.float32) * np.sqrt(1.0 / C)
    bs = jnp.zeros((K,), dtype=jnp.float32)
    return {"x": x, "edge_index": edge_index, "W1": W1, "W2": W2, "b": b, "Ws": Ws, "bs": bs}


def reference(x, edge_index, W1, W2, b, Ws, bs):
    # GCSConv: out = elu(A @ (x W1) + x W2 + b)  (skip-connected graph conv)
    src = edge_index[0]
    dst = edge_index[1]
    h = x @ W1                                   # [N, C]
    msgs = jnp.take(h, src, axis=0)              # gather per-edge messages [E, C]
    agg = jnp.zeros((x.shape[0], h.shape[1]), dtype=h.dtype).at[dst].add(msgs)  # scatter-add
    skip = x @ W2
    h = jax.nn.elu(agg + skip + b)
    # MinCutPool selection: s = softmax(Dense(h))
    s = jax.nn.softmax(h @ Ws + bs, axis=-1)     # [N, K]
    return s

if __name__ == "__main__":
    import jax
    _d = setup_inputs()
    print(jax.jit(kernel)(*tuple(_d.values())))

</pallas_src>

<mosaic_0001>
#map = affine_map<(d0, d1) -> (0, 0, 0, 0, 0)>
#map1 = affine_map<(d0, d1) -> (0, 0)>
module attributes {stable_mosaic.version = 14 : i64} {
  func.func @_sc_scatter(%arg0: i32, %arg1: i32, %arg2: memref<2x16x125x1x80xi32, #tpu.memory_space<hbm>>, %arg3: memref<20000x128xf32, #tpu.memory_space<hbm>>, %arg4: memref<20000x128xf32, #tpu.memory_space<hbm>>, %arg5: memref<10240x128xf32, #tpu.memory_space<vmem_shared>>, %arg6: memref<125x1x80xi32, #tpu.memory_space<vmem>>, %arg7: memref<1x80xi32, #tpu.memory_space<vmem>>, %arg8: memref<1x80xi32, #tpu.memory_space<vmem>>, %arg9: memref<1x80xi32, #tpu.memory_space<vmem>>, %arg10: memref<80x128xf32, #tpu.memory_space<vmem>>, %arg11: memref<80x128xf32, #tpu.memory_space<vmem>>, %arg12: memref<80x128xf32, #tpu.memory_space<vmem>>, %arg13: memref<!tpu.dma_semaphore, #tpu.memory_space<semaphore_mem>>, %arg14: memref<!tpu.dma_semaphore, #tpu.memory_space<semaphore_mem>>, %arg15: memref<!tpu.dma_semaphore, #tpu.memory_space<semaphore_mem>>, %arg16: memref<!tpu.dma_semaphore, #tpu.memory_space<semaphore_mem>>, %arg17: memref<!tpu.dma_semaphore, #tpu.memory_space<semaphore_mem>>, %arg18: memref<!tpu.dma_semaphore, #tpu.memory_space<semaphore_mem>>, %arg19: memref<!tpu.dma_semaphore, #tpu.memory_space<semaphore_mem>>, %arg20: memref<!tpu.dma_semaphore, #tpu.memory_space<semaphore_mem>>, %arg21: memref<!tpu.dma_semaphore, #tpu.memory_space<semaphore_mem>>) attributes {dimension_semantics = [#tpu.dimension_semantics<core_parallel>, #tpu.dimension_semantics<subcore_parallel>], iteration_bounds = array<i64: 2, 16>, scalar_prefetch = 0 : i64, scratch_operands = 17 : i64, tpu.core_type = #tpu.core_type<sc_vector_subcore>, window_params = [{transform_indices = #map}, {transform_indices = #map1}, {transform_indices = #map1}]} {
    %mul3A = arith.constant 10000 : i32
    %mul3A_0 = arith.muli %arg0, %mul3A : i32
    %run_scoped3A = arith.constant 1 : i32
    "tpu.region"() ({
      %run_scoped3A_252 = tpu.sem_alloc : memref<!tpu.dma_semaphore, #tpu.memory_space<semaphore_mem>>
      %dma_start3A_253 = arith.constant 0 : i32
      %dma_start3A_254 = arith.constant 0 : i32
      %dma_start3A_255 = arith.constant 0 : i32
      %dma_start3A_256 = tpu.memref_slice %arg2[%run_scoped3A, %arg1, %dma_start3A_253, %dma_start3A_254, %dma_start3A_255] : memref<2x16x125x1x80xi32, #tpu.memory_space<hbm>> -> memref<1x1x125x1x80xi32, #tpu.memory_space<hbm>>
      %dma_start3A_257 = tpu.memref_squeeze %dma_start3A_256 : memref<1x1x125x1x80xi32, #tpu.memory_space<hbm>> -> memref<125x1x80xi32, #tpu.memory_space<hbm>>
      %dma_start3A_258 = arith.constant 0 : i32
      %dma_start3A_259 = arith.constant 0 : i32
      %dma_start3A_260 = arith.constant 0 : i32
      %dma_start3A_261 = tpu.memref_slice %arg2[%run_scoped3A, %arg1, %dma_start3A_258, %dma_start3A_259, %dma_start3A_260] : memref<2x16x125x1x80xi32, #tpu.memory_space<hbm>> -> memref<1x1x125x1x80xi32, #tpu.memory_space<hbm>>
      %dma_start3A_262 = tpu.memref_squeeze %dma_start3A_261 : memref<1x1x125x1x80xi32, #tpu.memory_space<hbm>> -> memref<125x1x80xi32, #tpu.memory_space<hbm>>
      tpu.enqueue_dma source(%dma_start3A_262 : memref<125x1x80xi32, #tpu.memory_space<hbm>>) target(%arg6 : memref<125x1x80xi32, #tpu.memory_space<vmem>>) target_semaphore(%run_scoped3A_252 : memref<!tpu.dma_semaphore, #tpu.memory_space<semaphore_mem>>)
      %dma_wait3A_263 = arith.constant 0 : i32
      %dma_wait3A_264 = arith.constant 0 : i32
      %dma_wait3A_265 = arith.constant 0 : i32
      %dma_wait3A_266 = tpu.memref_slice %arg2[%run_scoped3A, %arg1, %dma_wait3A_263, %dma_wait3A_264, %dma_wait3A_265] : memref<2x16x125x1x80xi32, #tpu.memory_space<hbm>> -> memref<1x1x125x1x80xi32, #tpu.memory_space<hbm>>
      %dma_wait3A_267 = tpu.memref_squeeze %dma_wait3A_266 : memref<1x1x125x1x80xi32, #tpu.memory_space<hbm>> -> memref<125x1x80xi32, #tpu.memory_space<hbm>>
      %dma_wait3A_268 = arith.constant 0 : i32
      %dma_wait3A_269 = arith.constant 0 : i32
      %dma_wait3A_270 = arith.constant 0 : i32
      %dma_wait3A_271 = tpu.memref_slice %arg2[%run_scoped3A, %arg1, %dma_wait3A_268, %dma_wait3A_269, %dma_wait3A_270] : memref<2x16x125x1x80xi32, #tpu.memory_space<hbm>> -> memref<1x1x125x1x80xi32, #tpu.memory_space<hbm>>
      %dma_wait3A_272 = tpu.memref_squeeze %dma_wait3A_271 : memref<1x1x125x1x80xi32, #tpu.memory_space<hbm>> -> memref<125x1x80xi32, #tpu.memory_space<hbm>>
      tpu.wait_dma2 semaphore(%run_scoped3A_252 : memref<!tpu.dma_semaphore, #tpu.memory_space<semaphore_mem>>) src(%dma_wait3A_272 : memref<125x1x80xi32, #tpu.memory_space<hbm>>) dst(%arg6 : memref<125x1x80xi32, #tpu.memory_space<vmem>>)
      tpu.yield
    }) : () -> ()
    %scan3A = arith.constant 0 : i32
    %scan3A_1 = arith.constant 80 : i32
    %scan3A_2 = arith.addi %scan3A, %scan3A_1 : i32
    %scan3A_3 = arith.constant 1 : i32
    scf.for %scan3A_252 = %scan3A to %scan3A_2 step %scan3A_3  : i32 {
      %mul3A_253 = arith.constant 1 : i32
      %mul3A_254 = arith.muli %scan3A_252, %mul3A_253 : i32
      %add3A_255 = arith.constant 0 : i32
      %add3A_256 = arith.addi %add3A_255, %mul3A_254 : i32
      %broadcast_in_dim3A = arith.constant 0.000000e+00 : f32
      %broadcast_in_dim3A_257 = vector.broadcast %broadcast_in_dim3A : f32 to vector<16xf32>
      %swap3A_258 = arith.index_cast %add3A_256 : i32 to index
      %swap3A_259 = arith.constant 0 : index
      %swap3A_260 = tpu.vector_load %arg10[%swap3A_258, %swap3A_259] {strides = array<i32>} : memref<80x128xf32, #tpu.memory_space<vmem>>, vector<1x16xf32>,
      %swap3A_261 = vector.shape_cast %swap3A_260 : vector<1x16xf32> to vector<16xf32>
      %swap3A_262 = vector.shape_cast %broadcast_in_dim3A_257 : vector<16xf32> to vector<1x16xf32>
      tpu.vector_store %arg10[%swap3A_258, %swap3A_259], %swap3A_262 {strides = array<i32>} : memref<80x128xf32, #tpu.memory_space<vmem>>, vector<1x16xf32>,
      %broadcast_in_dim3A_263 = arith.constant 0.000000e+00 : f32
      %broadcast_in_dim3A_264 = vector.broadcast %broadcast_in_dim3A_263 : f32 to vector<16xf32>
      %swap3A_265 = arith.index_cast %add3A_256 : i32 to index
      %swap3A_266 = arith.constant 16 : index
      %swap3A_267 = tpu.vector_load %arg10[%swap3A_265, %swap3A_266] {strides = array<i32>} : memref<80x128xf32, #tpu.memory_space<vmem>>, vector<1x16xf32>,
      %swap3A_268 = vector.shape_cast %swap3A_267 : vector<1x16xf32> to vector<16xf32>
      %swap3A_269 = vector.shape_cast %broadcast_in_dim3A_264 : vector<16xf32> to vector<1x16xf32>
      tpu.vector_store %arg10[%swap3A_265, %swap3A_266], %swap3A_269 {strides = array<i32>} : memref<80x128xf32, #tpu.memory_space<vmem>>, vector<1x16xf32>,
      %broadcast_in_dim3A_270 = arith.constant 0.000000e+00 : f32
      %broadcast_in_dim3A_271 = vector.broadcast %broadcast_in_dim3A_270 : f32 to vector<16xf32>
      %swap3A_272 = arith.index_cast %add3A_256 : i32 to index
      %swap3A_273 = arith.constant 32 : index
      %swap3A_274 = tpu.vector_load %arg10[%swap3A_272, %swap3A_273] {strides = array<i32>} : memref<80x128xf32, #tpu.memory_space<vmem>>, vector<1x16xf32>,
      %swap3A_275 = vector.shape_cast %swap3A_274 : vector<1x16xf32> to vector<16xf32>
      %swap3A_276 = vector.shape_cast %broadcast_in_dim3A_271 : vector<16xf32> to vector<1x16xf32>
      tpu.vector_store %arg10[%swap3A_272, %swap3A_273], %swap3A_276 {strides = array<i32>} : memref<80x128xf32, #tpu.memory_space<vmem>>, vector<1x16xf32>,
      %broadcast_in_dim3A_277 = arith.constant 0.000000e+00 : f32
      %broadcast_in_dim3A_278 = vector.broadcast %broadcast_in_dim3A_277 : f32 to vector<16xf32>
      %swap3A_279 = arith.index_cast %add3A_256 : i32 to index
      %swap3A_280 = arith.constant 48 : index
      %swap3A_281 = tpu.vector_load %arg10[%swap3A_279, %swap3A_280] {strides = array<i32>} : memref<80x128xf32, #tpu.memory_space<vmem>>, vector<1x16xf32>,
      %swap3A_282 = vector.shape_cast %swap3A_281 : vector<1x16xf32> to vector<16xf32>
      %swap3A_283 = vector.shape_cast %broadcast_in_dim3A_278 : vector<16xf32> to vector<1x16xf32>
      tpu.vector_store %arg10[%swap3A_279, %swap3A_280], %swap3A_283 {strides = array<i32>} : memref<80x128xf32, #tpu.memory_space<vmem>>, vector<1x16xf32>,
      %broadcast_in_dim3A_284 = arith.constant 0.000000e+00 : f32
      %broadcast_in_dim3A_285 = vector.broadcast %broadcast_in_dim3A_284 : f32 to vector<16xf32>
      %swap3A_286 = arith.index_cast %add3A_256 : i32 to index
      %swap3A_287 = arith.constant 64 : index
      %swap3A_288 = tpu.vector_load %arg10[%swap3A_286, %swap3A_287] {strides = array<i32>} : memref<80x128xf32, #tpu.memory_space<vmem>>, vector<1x16xf32>,
      %swap3A_289 = vector.shape_cast %swap3A_288 : vector<1x16xf32> to vector<16xf32>
      %swap3A_290 = vector.shape_cast %broadcast_in_dim3A_285 : vector<16xf32> to vector<1x16xf32>
      tpu.vector_store %arg10[%swap3A_286, %swap3A_287], %swap3A_290 {strides = array<i32>} : memref<80x128xf32, #tpu.memory_space<vmem>>, vector<1x16xf32>,
      %broadcast_in_dim3A_291 = arith.constant 0.000000e+00 : f32
      %broadcast_in_dim3A_292 = vector.broadcast %broadcast_in_dim3A_291 : f32 to vector<16xf32>
      %swap3A_293 = arith.index_cast %add3A_256 : i32 to index
      %swap3A_294 = arith.constant 80 : index
      %swap3A_295 = tpu.vector_load %arg10[%swap3A_293, %swap3A_294] {strides = array<i32>} : memref<80x128xf32, #tpu.memory_space<vmem>>, vector<1x16xf32>,
      %swap3A_296 = vector.shape_cast %swap3A_295 : vector<1x16xf32> to vector<16xf32>
      %swap3A_297 = vector.shape_cast %broadcast_in_dim3A_292 : vector<16xf32> to vector<1x16xf32>
      tpu.vector_store %arg10[%swap3A_293, %swap3A_294], %swap3A_297 {strides = array<i32>} : memref<80x128xf32, #tpu.memory_space<vmem>>, vector<1x16xf32>,
      %broadcast_in_dim3A_298 = arith.constant 0.000000e+00 : f32
      %broadcast_in_dim3A_299 = vector.broadcast %broadcast_in_dim3A_298 : f32 to vector<16xf32>
      %swap3A_300 = arith.index_cast %add3A_256 : i32 to index
      %swap3A_301 = arith.constant 96 : index
      %swap3A_302 = tpu.vector_load %arg10[%swap3A_300, %swap3A_301] {strides = array<i32>} : memref<80x128xf32, #tpu.memory_space<vmem>>, vector<1x16xf32>,
      %swap3A_303 = vector.shape_cast %swap3A_302 : vector<1x16xf32> to vector<16xf32>
      %swap3A_304 = vector.shape_cast %broadcast_in_dim3A_299 : vector<16xf32> to vector<1x16xf32>
      tpu.vector_store %arg10[%swap3A_300, %swap3A_301], %swap3A_304 {strides = array<i32>} : memref<80x128xf32, #tpu.memory_space<vmem>>, vector<1x16xf32>,
      %broadcast_in_dim3A_305 = arith.constant 0.000000e+00 : f32
      %broadcast_in_dim3A_306 = vector.broadcast %broadcast_in_dim3A_305 : f32 to vector<16xf32>
      %swap3A_307 = arith.index_cast %add3A_256 : i32 to index
      %swap3A_308 = arith.constant 112 : index
      %swap3A_309 = tpu.vector_load %arg10[%swap3A_307, %swap3A_308] {strides = array<i32>} : memref<80x128xf32, #tpu.memory_space<vmem>>, vector<1x16xf32>,
      %swap3A_310 = vector.shape_cast %swap3A_309 : vector<1x16xf32> to vector<16xf32>
      %swap3A_311 = vector.shape_cast %broadcast_in_dim3A_306 : vector<16xf32> to vector<1x16xf32>
      tpu.vector_store %arg10[%swap3A_307, %swap3A_308], %swap3A_311 {strides = array<i32>} : memref<80x128xf32, #tpu.memory_space<vmem>>, vector<1x16xf32>,
    }
    %scan3A_4 = arith.constant 80 : i32
    %scan3A_5 = arith.constant 0 : i32
    %scan3A_6 = arith.constant 8 : i32
    %scan3A_7 = arith.addi %scan3A_5, %scan3A_6 : i32
    %scan3A_8 = arith.constant 1 : i32
    scf.for %scan3A_252 = %scan3A_5 to %scan3A_7 step %scan3A_8  : i32 {
      %mul3A_253 = arith.constant 1 : i32
      %mul3A_254 = arith.muli %scan3A_252, %mul3A_253 : i32
      %add3A_255 = arith.constant 0 : i32
      %add3A_256 = arith.addi %add3A_255, %mul3A_254 : i32
      %mul3A_257 = arith.constant 640 : i32
      %mul3A_258 = arith.muli %arg1, %mul3A_257 : i32
      %mul3A_259 = arith.constant 80 : i32
      %mul3A_260 = arith.muli %add3A_256, %mul3A_259 : i32
      %add3A_261 = arith.addi %mul3A_258, %mul3A_260 : i32
      "tpu.region"() ({
        %run_scoped3A_262 = tpu.sem_alloc : memref<!tpu.dma_semaphore, #tpu.memory_space<semaphore_mem>>
        %dma_start3A_263 = arith.constant 0 : i32
        %dma_start3A_264 = tpu.memref_slice %arg5[%add3A_261, %dma_start3A_263] : memref<10240x128xf32, #tpu.memory_space<vmem_shared>> -> memref<80x128xf32, #tpu.memory_space<vmem_shared>>
        %dma_start3A_265 = arith.constant 0 : i32
        %dma_start3A_266 = tpu.memref_slice %arg5[%add3A_261, %dma_start3A_265] : memref<10240x128xf32, #tpu.memory_space<vmem_shared>> -> memref<80x128xf32, #tpu.memory_space<vmem_shared>>
        tpu.enqueue_dma source(%arg10 : memref<80x128xf32, #tpu.memory_space<vmem>>) target(%dma_start3A_266 : memref<80x128xf32, #tpu.memory_space<vmem_shared>>) target_semaphore(%run_scoped3A_262 : memref<!tpu.dma_semaphore, #tpu.memory_space<semaphore_mem>>)
        %dma_wait3A_267 = arith.constant 0 : i32
        %dma_wait3A_268 = tpu.memref_slice %arg5[%add3A_261, %dma_wait3A_267] : memref<10240x128xf32, #tpu.memory_space<vmem_shared>> -> memref<80x128xf32, #tpu.memory_space<vmem_shared>>
        %dma_wait3A_269 = arith.constant 0 : i32
        %dma_wait3A_270 = tpu.memref_slice %arg5[%add3A_261, %dma_wait3A_269] : memref<10240x128xf32, #tpu.memory_space<vmem_shared>> -> memref<80x128xf32, #tpu.memory_space<vmem_shared>>
        tpu.wait_dma2 semaphore(%run_scoped3A_262 : memref<!tpu.dma_semaphore, #tpu.memory_space<semaphore_mem>>) src(%arg10 : memref<80x128xf32, #tpu.memory_space<vmem>>) dst(%dma_wait3A_270 : memref<80x128xf32, #tpu.memory_space<vmem_shared>>)
        tpu.yield
      }) : () -> ()
    }
    %scan3A_9 = arith.constant 8 : i32
    %barrier3A = arith.constant 0 : index
    tpu.barrier barrier_id(%barrier3A)
    %dma_start3A = arith.constant 0 : i32
    %dma_start3A_10 = arith.constant 0 : i32
    %dma_start3A_11 = arith.constant 0 : i32
    %dma_start3A_12 = arith.constant 0 : i32
    %dma_start3A_13 = tpu.memref_slice %arg2[%dma_start3A, %arg1, %dma_start3A_10, %dma_start3A_11, %dma_start3A_12] : memref<2x16x125x1x80xi32, #tpu.memory_space<hbm>> -> memref<1x1x1x1x80xi32, #tpu.memory_space<hbm>>
    %dma_start3A_14 = tpu.memref_squeeze %dma_start3A_13 : memref<1x1x1x1x80xi32, #tpu.memory_space<hbm>> -> memref<1x80xi32, #tpu.memory_space<hbm>>
    %dma_start3A_15 = arith.constant 0 : i32
    %dma_start3A_16 = arith.constant 0 : i32
    %dma_start3A_17 = tpu.memref_slice %arg2[%dma_start3A, %arg1, %dma_start3A_10, %dma_start3A_15, %dma_start3A_16] : memref<2x16x125x1x80xi32, #tpu.memory_space<hbm>> -> memref<1x1x1x1x80xi32, #tpu.memory_space<hbm>>
    %dma_start3A_18 = tpu.memref_squeeze %dma_start3A_17 : memref<1x1x1x1x80xi32, #tpu.memory_space<hbm>> -> memref<1x80xi32, #tpu.memory_space<hbm>>
    tpu.enqueue_dma source(%dma_start3A_18 : memref<1x80xi32, #tpu.memory_space<hbm>>) target(%arg7 : memref<1x80xi32, #tpu.memory_space<vmem>>) target_semaphore(%arg13 : memref<!tpu.dma_semaphore, #tpu.memory_space<semaphore_mem>>)
    %dma_start3A_19 = arith.constant 0 : i32
    %dma_start3A_20 = arith.constant 1 : i32
    %dma_start3A_21 = arith.constant 0 : i32
    %dma_start3A_22 = arith.constant 0 : i32
    %dma_start3A_23 = tpu.memref_slice %arg2[%dma_start3A_19, %arg1, %dma_start3A_20, %dma_start3A_21, %dma_start3A_22] : memref<2x16x125x1x80xi32, #tpu.memory_space<hbm>> -> memref<1x1x1x1x80xi32, #tpu.memory_space<hbm>>
    %dma_start3A_24 = tpu.memref_squeeze %dma_start3A_23 : memref<1x1x1x1x80xi32, #tpu.memory_space<hbm>> -> memref<1x80xi32, #tpu.memory_space<hbm>>
    %dma_start3A_25 = arith.constant 0 : i32
    %dma_start3A_26 = arith.constant 0 : i32
    %dma_start3A_27 = tpu.memref_slice %arg2[%dma_start3A_19, %arg1, %dma_start3A_20, %dma_start3A_25, %dma_start3A_26] : memref<2x16x125x1x80xi32, #tpu.memory_space<hbm>> -> memref<1x1x1x1x80xi32, #tpu.memory_space<hbm>>
    %dma_start3A_28 = tpu.memref_squeeze %dma_start3A_27 : memref<1x1x1x1x80xi32, #tpu.memory_space<hbm>> -> memref<1x80xi32, #tpu.memory_space<hbm>>
    tpu.enqueue_dma source(%dma_start3A_28 : memref<1x80xi32, #tpu.memory_space<hbm>>) target(%arg8 : memref<1x80xi32, #tpu.memory_space<vmem>>) target_semaphore(%arg14 : memref<!tpu.dma_semaphore, #tpu.memory_space<semaphore_mem>>)
    %dma_start3A_29 = arith.constant 0 : i32
    %dma_start3A_30 = arith.constant 2 : i32
    %dma_start3A_31 = arith.constant 0 : i32
    %dma_start3A_32 = arith.constant 0 : i32
    %dma_start3A_33 = tpu.memref_slice %arg2[%dma_start3A_29, %arg1, %dma_start3A_30, %dma_start3A_31, %dma_start3A_32] : memref<2x16x125x1x80xi32, #tpu.memory_space<hbm>> -> memref<1x1x1x1x80xi32, #tpu.memory_space<hbm>>
    %dma_start3A_34 = tpu.memref_squeeze %dma_start3A_33 : memref<1x1x1x1x80xi32, #tpu.memory_space<hbm>> -> memref<1x80xi32, #tpu.memory_space<hbm>>
    %dma_start3A_35 = arith.constant 0 : i32
    %dma_start3A_36 = arith.constant 0 : i32
    %dma_start3A_37 = tpu.memref_slice %arg2[%dma_start3A_29, %arg1, %dma_start3A_30, %dma_start3A_35, %dma_start3A_36] : memref<2x16x125x1x80xi32, #tpu.memory_space<hbm>> -> memref<1x1x1x1x80xi32, #tpu.memory_space<hbm>>
    %dma_start3A_38 = tpu.memref_squeeze %dma_start3A_37 : memref<1x1x1x1x80xi32, #tpu.memory_space<hbm>> -> memref<1x80xi32, #tpu.memory_space<hbm>>
    tpu.enqueue_dma source(%dma_start3A_38 : memref<1x80xi32, #tpu.memory_space<hbm>>) target(%arg9 : memref<1x80xi32, #tpu.memory_space<vmem>>) target_semaphore(%arg15 : memref<!tpu.dma_semaphore, #tpu.memory_space<semaphore_mem>>)
    %dma_wait3A = arith.constant 0 : i32
    %dma_wait3A_39 = arith.constant 0 : i32
    %dma_wait3A_40 = arith.constant 0 : i32
    %dma_wait3A_41 = arith.constant 0 : i32
    %dma_wait3A_42 = tpu.memref_slice %arg2[%dma_wait3A, %arg1, %dma_wait3A_39, %dma_wait3A_40, %dma_wait3A_41] : memref<2x16x125x1x80xi32, #tpu.memory_space<hbm>> -> memref<1x1x1x1x80xi32, #tpu.memory_space<hbm>>
    %dma_wait3A_43 = tpu.memref_squeeze %dma_wait3A_42 : memref<1x1x1x1x80xi32, #tpu.memory_space<hbm>> -> memref<1x80xi32, #tpu.memory_space<hbm>>
    %dma_wait3A_44 = arith.constant 0 : i32
    %dma_wait3A_45 = arith.constant 0 : i32
    %dma_wait3A_46 = tpu.memref_slice %arg2[%dma_wait3A, %arg1, %dma_wait3A_39, %dma_wait3A_44, %dma_wait3A_45] : memref<2x16x125x1x80xi32, #tpu.memory_space<hbm>> -> memref<1x1x1x1x80xi32, #tpu.memory_space<hbm>>
    %dma_wait3A_47 = tpu.memref_squeeze %dma_wait3A_46 : memref<1x1x1x1x80xi32, #tpu.memory_space<hbm>> -> memref<1x80xi32, #tpu.memory_space<hbm>>
    tpu.wait_dma2 semaphore(%arg13 : memref<!tpu.dma_semaphore, #tpu.memory_space<semaphore_mem>>) src(%dma_wait3A_47 : memref<1x80xi32, #tpu.memory_space<hbm>>) dst(%arg7 : memref<1x80xi32, #tpu.memory_space<vmem>>)
    %get3A = arith.constant 0 : i32
    %get3A_48 = arith.index_cast %get3A : i32 to index
    %get3A_49 = arith.constant 0 : index
    %get3A_50 = tpu.vector_load %arg7[%get3A_48, %get3A_49] {strides = array<i32>} : memref<1x80xi32, #tpu.memory_space<vmem>>, vector<1x16xi32>,
    %get3A_51 = vector.shape_cast %get3A_50 : vector<1x16xi32> to vector<16xi32>
    %add3A = vector.broadcast %mul3A_0 : i32 to vector<16xi32>
    %add3A_52 = arith.addi %get3A_51, %add3A : vector<16xi32>
    %swap3A = arith.constant 0 : i32
    %swap3A_53 = arith.index_cast %swap3A : i32 to index
    %swap3A_54 = arith.constant 0 : index
    %swap3A_55 = tpu.vector_load %arg7[%swap3A_53, %swap3A_54] {strides = array<i32>} : memref<1x80xi32, #tpu.memory_space<vmem>>, vector<1x16xi32>,
    %swap3A_56 = vector.shape_cast %swap3A_55 : vector<1x16xi32> to vector<16xi32>
    %swap3A_57 = vector.shape_cast %add3A_52 : vector<16xi32> to vector<1x16xi32>
    tpu.vector_store %arg7[%swap3A_53, %swap3A_54], %swap3A_57 {strides = array<i32>} : memref<1x80xi32, #tpu.memory_space<vmem>>, vector<1x16xi32>,
    %get3A_58 = arith.constant 0 : i32
    %get3A_59 = arith.index_cast %get3A_58 : i32 to index
    %get3A_60 = arith.constant 16 : index
    %get3A_61 = tpu.vector_load %arg7[%get3A_59, %get3A_60] {strides = array<i32>} : memref<1x80xi32, #tpu.memory_space<vmem>>, vector<1x16xi32>,
    %get3A_62 = vector.shape_cast %get3A_61 : vector<1x16xi32> to vector<16xi32>
    %add3A_63 = vector.broadcast %mul3A_0 : i32 to vector<16xi32>
    %add3A_64 = arith.addi %get3A_62, %add3A_63 : vector<16xi32>
    %swap3A_65 = arith.constant 0 : i32
    %swap3A_66 = arith.index_cast %swap3A_65 : i32 to index
    %swap3A_67 = arith.constant 16 : index
    %swap3A_68 = tpu.vector_load %arg7[%swap3A_66, %swap3A_67] {strides = array<i32>} : memref<1x80xi32, #tpu.memory_space<vmem>>, vector<1x16xi32>,
    %swap3A_69 = vector.shape_cast %swap3A_68 : vector<1x16xi32> to vector<16xi32>
    %swap3A_70 = vector.shape_cast %add3A_64 : vector<16xi32> to vector<1x16xi32>
    tpu.vector_store %arg7[%swap3A_66, %swap3A_67], %swap3A_70 {strides = array<i32>} : memref<1x80xi32, #tpu.memory_space<vmem>>, vector<1x16xi32>,
    %get3A_71 = arith.constant 0 : i32
    %get3A_72 = arith.index_cast %get3A_71 : i32 to index
    %get3A_73 = arith.constant 32 : index
    %get3A_74 = tpu.vector_load %arg7[%get3A_72, %get3A_73] {strides = array<i32>} : memref<1x80xi32, #tpu.memory_space<vmem>>, vector<1x16xi32>,
    %get3A_75 = vector.shape_cast %get3A_74 : vector<1x16xi32> to vector<16xi32>
    %add3A_76 = vector.broadcast %mul3A_0 : i32 to vector<16xi32>
    %add3A_77 = arith.addi %get3A_75, %add3A_76 : vector<16xi32>
    %swap3A_78 = arith.constant 0 : i32
    %swap3A_79 = arith.index_cast %swap3A_78 : i32 to index
    %swap3A_80 = arith.constant 32 : index
    %swap3A_81 = tpu.vector_load %arg7[%swap3A_79, %swap3A_80] {strides = array<i32>} : memref<1x80xi32, #tpu.memory_space<vmem>>, vector<1x16xi32>,
    %swap3A_82 = vector.shape_cast %swap3A_81 : vector<1x16xi32> to vector<16xi32>
    %swap3A_83 = vector.shape_cast %add3A_77 : vector<16xi32> to vector<1x16xi32>
    tpu.vector_store %arg7[%swap3A_79, %swap3A_80], %swap3A_83 {strides = array<i32>} : memref<1x80xi32, #tpu.memory_space<vmem>>, vector<1x16xi32>,
    %get3A_84 = arith.constant 0 : i32
    %get3A_85 = arith.index_cast %get3A_84 : i32 to index
    %get3A_86 = arith.constant 48 : index
    %get3A_87 = tpu.vector_load %arg7[%get3A_85, %get3A_86] {strides = array<i32>} : memref<1x80xi32, #tpu.memory_space<vmem>>, vector<1x16xi32>,
    %get3A_88 = vector.shape_cast %get3A_87 : vector<1x16xi32> to vector<16xi32>
    %add3A_89 = vector.broadcast %mul3A_0 : i32 to vector<16xi32>
    %add3A_90 = arith.addi %get3A_88, %add3A_89 : vector<16xi32>
    %swap3A_91 = arith.constant 0 : i32
    %swap3A_92 = arith.index_cast %swap3A_91 : i32 to index
    %swap3A_93 = arith.constant 48 : index
    %swap3A_94 = tpu.vector_load %arg7[%swap3A_92, %swap3A_93] {strides = array<i32>} : memref<1x80xi32, #tpu.memory_space<vmem>>, vector<1x16xi32>,
    %swap3A_95 = vector.shape_cast %swap3A_94 : vector<1x16xi32> to vector<16xi32>
    %swap3A_96 = vector.shape_cast %add3A_90 : vector<16xi32> to vector<1x16xi32>
    tpu.vector_store %arg7[%swap3A_92, %swap3A_93], %swap3A_96 {strides = array<i32>} : memref<1x80xi32, #tpu.memory_space<vmem>>, vector<1x16xi32>,
    %get3A_97 = arith.constant 0 : i32
    %get3A_98 = arith.index_cast %get3A_97 : i32 to index
    %get3A_99 = arith.constant 64 : index
    %get3A_100 = tpu.vector_load %arg7[%get3A_98, %get3A_99] {strides = array<i32>} : memref<1x80xi32, #tpu.memory_space<vmem>>, vector<1x16xi32>,
    %get3A_101 = vector.shape_cast %get3A_100 : vector<1x16xi32> to vector<16xi32>
    %add3A_102 = vector.broadcast %mul3A_0 : i32 to vector<16xi32>
    %add3A_103 = arith.addi %get3A_101, %add3A_102 : vector<16xi32>
    %swap3A_104 = arith.constant 0 : i32
    %swap3A_105 = arith.index_cast %swap3A_104 : i32 to index
    %swap3A_106 = arith.constant 64 : index
    %swap3A_107 = tpu.vector_load %arg7[%swap3A_105, %swap3A_106] {strides = array<i32>} : memref<1x80xi32, #tpu.memory_space<vmem>>, vector<1x16xi32>,
    %swap3A_108 = vector.shape_cast %swap3A_107 : vector<1x16xi32> to vector<16xi32>
    %swap3A_109 = vector.shape_cast %add3A_103 : vector<16xi32> to vector<1x16xi32>
    tpu.vector_store %arg7[%swap3A_105, %swap3A_106], %swap3A_109 {strides = array<i32>} : memref<1x80xi32, #tpu.memory_space<vmem>>, vector<1x16xi32>,
    %dma_start3A_110 = arith.constant 0 : i32
    %dma_start3A_111 = arith.constant 0 : i32
    %dma_start3A_112 = tpu.memref_slice %arg7[%dma_start3A_110, %dma_start3A_111] : memref<1x80xi32, #tpu.memory_space<vmem>> -> memref<1x80xi32, #tpu.memory_space<vmem>>
    %dma_start3A_113 = tpu.memref_squeeze %dma_start3A_112 : memref<1x80xi32, #tpu.memory_space<vmem>> -> memref<80xi32, #tpu.memory_space<vmem>>
    %dma_start3A_114 = arith.constant 0 : i32
    %dma_start3A_115 = arith.constant 0 : i32
    %dma_start3A_116 = tpu.memref_slice %arg3[%dma_start3A_114, %dma_start3A_115] : memref<20000x128xf32, #tpu.memory_space<hbm>> -> memref<20000x128xf32, #tpu.memory_space<hbm>>
    tpu.enqueue_indirect_dma source(%dma_start3A_116 : memref<20000x128xf32, #tpu.memory_space<hbm>>) target(%arg10 : memref<80x128xf32, #tpu.memory_space<vmem>>) offsets(%dma_start3A_113 : memref<80xi32, #tpu.memory_space<vmem>>) semaphore(%arg16 : memref<!tpu.dma_semaphore, #tpu.memory_space<semaphore_mem>>)
    %dma_wait3A_117 = arith.constant 0 : i32
    %dma_wait3A_118 = arith.constant 1 : i32
    %dma_wait3A_119 = arith.constant 0 : i32
    %dma_wait3A_120 = arith.constant 0 : i32
    %dma_wait3A_121 = tpu.memref_slice %arg2[%dma_wait3A_117, %arg1, %dma_wait3A_118, %dma_wait3A_119, %dma_wait3A_120] : memref<2x16x125x1x80xi32, #tpu.memory_space<hbm>> -> memref<1x1x1x1x80xi32, #tpu.memory_space<hbm>>
    %dma_wait3A_122 = tpu.memref_squeeze %dma_wait3A_121 : memref<1x1x1x1x80xi32, #tpu.memory_space<hbm>> -> memref<1x80xi32, #tpu.memory_space<hbm>>
    %dma_wait3A_123 = arith.constant 0 : i32
    %dma_wait3A_124 = arith.constant 0 : i32
    %dma_wait3A_125 = tpu.memref_slice %arg2[%dma_wait3A_117, %arg1, %dma_wait3A_118, %dma_wait3A_123, %dma_wait3A_124] : memref<2x16x125x1x80xi32, #tpu.memory_space<hbm>> -> memref<1x1x1x1x80xi32, #tpu.memory_space<hbm>>
    %dma_wait3A_126 = tpu.memref_squeeze %dma_wait3A_125 : memref<1x1x1x1x80xi32, #tpu.memory_space<hbm>> -> memref<1x80xi32, #tpu.memory_space<hbm>>
    tpu.wait_dma2 semaphore(%arg14 : memref<!tpu.dma_semaphore, #tpu.memory_space<semaphore_mem>>) src(%dma_wait3A_126 : memref<1x80xi32, #tpu.memory_space<hbm>>) dst(%arg8 : memref<1x80xi32, #tpu.memory_space<vmem>>)
    %get3A_127 = arith.constant 0 : i32
    %get3A_128 = arith.index_cast %get3A_127 : i32 to index
    %get3A_129 = arith.constant 0 : index
    %get3A_130 = tpu.vector_load %arg8[%get3A_128, %get3A_129] {strides = array<i32>} : memref<1x80xi32, #tpu.memory_space<vmem>>, vector<1x16xi32>,
    %get3A_131 = vector.shape_cast %get3A_130 : vector<1x16xi32> to vector<16xi32>
    %add3A_132 = vector.broadcast %mul3A_0 : i32 to vector<16xi32>
    %add3A_133 = arith.addi %get3A_131, %add3A_132 : vector<16xi32>
    %swap3A_134 = arith.constant 0 : i32
    %swap3A_135 = arith.index_cast %swap3A_134 : i32 to index
    %swap3A_136 = arith.constant 0 : index
    %swap3A_137 = tpu.vector_load %arg8[%swap3A_135, %swap3A_136] {strides = array<i32>} : memref<1x80xi32, #tpu.memory_space<vmem>>, vector<1x16xi32>,
    %swap3A_138 = vector.shape_cast %swap3A_137 : vector<1x16xi32> to vector<16xi32>
    %swap3A_139 = vector.shape_cast %add3A_133 : vector<16xi32> to vector<1x16xi32>
    tpu.vector_store %arg8[%swap3A_135, %swap3A_136], %swap3A_139 {strides = array<i32>} : memref<1x80xi32, #tpu.memory_space<vmem>>, vector<1x16xi32>,
    %get3A_140 = arith.constant 0 : i32
    %get3A_141 = arith.index_cast %get3A_140 : i32 to index
    %get3A_142 = arith.constant 16 : index
    %get3A_143 = tpu.vector_load %arg8[%get3A_141, %get3A_142] {strides = array<i32>} : memref<1x80xi32, #tpu.memory_space<vmem>>, vector<1x16xi32>,
    %get3A_144 = vector.shape_cast %get3A_143 : vector<1x16xi32> to vector<16xi32>
    %add3A_145 = vector.broadcast %mul3A_0 : i32 to vector<16xi32>
    %add3A_146 = arith.addi %get3A_144, %add3A_145 : vector<16xi32>
    %swap3A_147 = arith.constant 0 : i32
    %swap3A_148 = arith.index_cast %swap3A_147 : i32 to index
    %swap3A_149 = arith.constant 16 : index
    %swap3A_150 = tpu.vector_load %arg8[%swap3A_148, %swap3A_149] {strides = array<i32>} : memref<1x80xi32, #tpu.memory_space<vmem>>, vector<1x16xi32>,
    %swap3A_151 = vector.shape_cast %swap3A_150 : vector<1x16xi32> to vector<16xi32>
    %swap3A_152 = vector.shape_cast %add3A_146 : vector<16xi32> to vector<1x16xi32>
    tpu.vector_store %arg8[%swap3A_148, %swap3A_149], %swap3A_152 {strides = array<i32>} : memref<1x80xi32, #tpu.memory_space<vmem>>, vector<1x16xi32>,
    %get3A_153 = arith.constant 0 : i32
    %get3A_154 = arith.index_cast %get3A_153 : i32 to index
    %get3A_155 = arith.constant 32 : index
    %get3A_156 = tpu.vector_load %arg8[%get3A_154, %get3A_155] {strides = array<i32>} : memref<1x80xi32, #tpu.memory_space<vmem>>, vector<1x16xi32>,
    %get3A_157 = vector.shape_cast %get3A_156 : vector<1x16xi32> to vector<16xi32>
    %add3A_158 = vector.broadcast %mul3A_0 : i32 to vector<16xi32>
    %add3A_159 = arith.addi %get3A_157, %add3A_158 : vector<16xi32>
    %swap3A_160 = arith.constant 0 : i32
    %swap3A_161 = arith.index_cast %swap3A_160 : i32 to index
    %swap3A_162 = arith.constant 32 : index
    %swap3A_163 = tpu.vector_load %arg8[%swap3A_161, %swap3A_162] {strides = array<i32>} : memref<1x80xi32, #tpu.memory_space<vmem>>, vector<1x16xi32>,
    %swap3A_164 = vector.shape_cast %swap3A_163 : vector<1x16xi32> to vector<16xi32>
    %swap3A_165 = vector.shape_cast %add3A_159 : vector<16xi32> to vector<1x16xi32>
    tpu.vector_store %arg8[%swap3A_161, %swap3A_162], %swap3A_165 {strides = array<i32>} : memref<1x80xi32, #tpu.memory_space<vmem>>, vector<1x16xi32>,
    %get3A_166 = arith.constant 0 : i32
    %get3A_167 = arith.index_cast %get3A_166 : i32 to index
    %get3A_168 = arith.constant 48 : index
    %get3A_169 = tpu.vector_load %arg8[%get3A_167, %get3A_168] {strides = array<i32>} : memref<1x80xi32, #tpu.memory_space<vmem>>, vector<1x16xi32>,
    %get3A_170 = vector.shape_cast %get3A_169 : vector<1x16xi32> to vector<16xi32>
    %add3A_171 = vector.broadcast %mul3A_0 : i32 to vector<16xi32>
    %add3A_172 = arith.addi %get3A_170, %add3A_171 : vector<16xi32>
    %swap3A_173 = arith.constant 0 : i32
    %swap3A_174 = arith.index_cast %swap3A_173 : i32 to index
    %swap3A_175 = arith.constant 48 : index
    %swap3A_176 = tpu.vector_load %arg8[%swap3A_174, %swap3A_175] {strides = array<i32>} : memref<1x80xi32, #tpu.memory_space<vmem>>, vector<1x16xi32>,
    %swap3A_177 = vector.shape_cast %swap3A_176 : vector<1x16xi32> to vector<16xi32>
    %swap3A_178 = vector.shape_cast %add3A_172 : vector<16xi32> to vector<1x16xi32>
    tpu.vector_store %arg8[%swap3A_174, %swap3A_175], %swap3A_178 {strides = array<i32>} : memref<1x80xi32, #tpu.memory_space<vmem>>, vector<1x16xi32>,
    %get3A_179 = arith.constant 0 : i32
    %get3A_180 = arith.index_cast %get3A_179 : i32 to index
    %get3A_181 = arith.constant 64 : index
    %get3A_182 = tpu.vector_load %arg8[%get3A_180, %get3A_181] {strides = array<i32>} : memref<1x80xi32, #tpu.memory_space<vmem>>, vector<1x16xi32>,
    %get3A_183 = vector.shape_cast %get3A_182 : vector<1x16xi32> to vector<16xi32>
    %add3A_184 = vector.broadcast %mul3A_0 : i32 to vector<16xi32>
    %add3A_185 = arith.addi %get3A_183, %add3A_184 : vector<16xi32>
    %swap3A_186 = arith.constant 0 : i32
    %swap3A_187 = arith.index_cast %swap3A_186 : i32 to index
    %swap3A_188 = arith.constant 64 : index
    %swap3A_189 = tpu.vector_load %arg8[%swap3A_187, %swap3A_188] {strides = array<i32>} : memref<1x80xi32, #tpu.memory_space<vmem>>, vector<1x16xi32>,
    %swap3A_190 = vector.shape_cast %swap3A_189 : vector<1x16xi32> to vector<16xi32>
    %swap3A_191 = vector.shape_cast %add3A_185 : vector<16xi32> to vector<1x16xi32>
    tpu.vector_store %arg8[%swap3A_187, %swap3A_188], %swap3A_191 {strides = array<i32>} : memref<1x80xi32, #tpu.memory_space<vmem>>, vector<1x16xi32>,
    %dma_start3A_192 = arith.constant 0 : i32
    %dma_start3A_193 = arith.constant 0 : i32
    %dma_start3A_194 = tpu.memref_slice %arg8[%dma_start3A_192, %dma_start3A_193] : memref<1x80xi32, #tpu.memory_space<vmem>> -> memref<1x80xi32, #tpu.memory_space<vmem>>
    %dma_start3A_195 = tpu.memref_squeeze %dma_start3A_194 : memref<1x80xi32, #tpu.memory_space<vmem>> -> memref<80xi32, #tpu.memory_space<vmem>>
    %dma_start3A_196 = arith.constant 0 : i32
    %dma_start3A_197 = arith.constant 0 : i32
    %dma_start3A_198 = tpu.memref_slice %arg3[%dma_start3A_196, %dma_start3A_197] : memref<20000x128xf32, #tpu.memory_space<hbm>> -> memref<20000x128xf32, #tpu.memory_space<hbm>>
    tpu.enqueue_indirect_dma source(%dma_start3A_198 : memref<20000x128xf32, #tpu.memory_space<hbm>>) target(%arg11 : memref<80x128xf32, #tpu.memory_space<vmem>>) offsets(%dma_start3A_195 : memref<80xi32, #tpu.memory_space<vmem>>) semaphore(%arg17 : memref<!tpu.dma_semaphore, #tpu.memory_space<semaphore_mem>>)
    %scan3A_199 = arith.constant 0 : i32
    %scan3A_200 = arith.constant 41 : i32
    %scan3A_201 = arith.addi %scan3A_199, %scan3A_200 : i32
    %scan3A_202 = arith.constant 1 : i32
    scf.for %scan3A_252 = %scan3A_199 to %scan3A_201 step %scan3A_202  : i32 {
      %mul3A_253 = arith.constant 1 : i32
      %mul3A_254 = arith.muli %scan3A_252, %mul3A_253 : i32
      %add3A_255 = arith.constant 0 : i32
      %add3A_256 = arith.addi %add3A_255, %mul3A_254 : i32
      %mul3A_257 = arith.constant 3 : i32
      %mul3A_258 = arith.muli %mul3A_257, %add3A_256 : i32
      %gt3A = arith.constant 0 : i32
      %gt3A_259 = arith.cmpi sgt, %mul3A_258, %gt3A : i32
      %convert_element_type3A_260 = arith.extui %gt3A_259 : i1 to i32
      %cond3A_261 = arith.constant 0 : i32
      %cond3A_262 = arith.cmpi ne, %convert_element_type3A_260, %cond3A_261 : i32
      scf.if %cond3A_262 {
        %sub3A = arith.constant 1 : i32
        %sub3A_588 = arith.subi %mul3A_258, %sub3A : i32
        %dma_wait3A_589 = arith.constant 0 : i32
        %dma_wait3A_590 = arith.constant 0 : i32
        %dma_wait3A_591 = tpu.memref_slice %arg6[%sub3A_588, %dma_wait3A_589, %dma_wait3A_590] : memref<125x1x80xi32, #tpu.memory_space<vmem>> -> memref<1x1x80xi32, #tpu.memory_space<vmem>>
        %dma_wait3A_592 = tpu.memref_squeeze %dma_wait3A_591 : memref<1x1x80xi32, #tpu.memory_space<vmem>> -> memref<80xi32, #tpu.memory_space<vmem>>
        %dma_wait3A_593 = arith.constant 0 : i32
        %dma_wait3A_594 = arith.constant 0 : i32
        %dma_wait3A_595 = tpu.memref_slice %arg5[%dma_wait3A_593, %dma_wait3A_594] : memref<10240x128xf32, #tpu.memory_space<vmem_shared>> -> memref<10240x128xf32, #tpu.memory_space<vmem_shared>>
        tpu.wait_indirect_dma semaphore(%arg21 : memref<!tpu.dma_semaphore, #tpu.memory_space<semaphore_mem>>) src(%arg12 : memref<80x128xf32, #tpu.memory_space<vmem>>) dst(%dma_wait3A_595 : memref<10240x128xf32, #tpu.memory_space<vmem_shared>>)
      } else {
      }
      %add3A_263 = arith.constant 2 : i32
      %add3A_264 = arith.addi %mul3A_258, %add3A_263 : i32
      %dma_wait3A_265 = arith.constant 0 : i32
      %dma_wait3A_266 = arith.constant 0 : i32
      %dma_wait3A_267 = arith.constant 0 : i32
      %dma_wait3A_268 = tpu.memref_slice %arg2[%dma_wait3A_265, %arg1, %add3A_264, %dma_wait3A_266, %dma_wait3A_267] : memref<2x16x125x1x80xi32, #tpu.memory_space<hbm>> -> memref<1x1x1x1x80xi32, #tpu.memory_space<hbm>>
      %dma_wait3A_269 = tpu.memref_squeeze %dma_wait3A_268 : memref<1x1x1x1x80xi32, #tpu.memory_space<hbm>> -> memref<1x80xi32, #tpu.memory_space<hbm>>
      %dma_wait3A_270 = arith.constant 0 : i32
      %dma_wait3A_271 = arith.constant 0 : i32
      %dma_wait3A_272 = tpu.memref_slice %arg2[%dma_wait3A_265, %arg1, %add3A_264, %dma_wait3A_270, %dma_wait3A_271] : memref<2x16x125x1x80xi32, #tpu.memory_space<hbm>> -> memref<1x1x1x1x80xi32, #tpu.memory_space<hbm>>
      %dma_wait3A_273 = tpu.memref_squeeze %dma_wait3A_272 : memref<1x1x1x1x80xi32, #tpu.memory_space<hbm>> -> memref<1x80xi32, #tpu.memory_space<hbm>>
      tpu.wait_dma2 semaphore(%arg15 : memref<!tpu.dma_semaphore, #tpu.memory_space<semaphore_mem>>) src(%dma_wait3A_273 : memref<1x80xi32, #tpu.memory_space<hbm>>) dst(%arg9 : memref<1x80xi32, #tpu.memory_space<vmem>>)
      %get3A_274 = arith.constant 0 : i32
      %get3A_275 = arith.index_cast %get3A_274 : i32 to index
      %get3A_276 = arith.constant 0 : index
      %get3A_277 = tpu.vector_load %arg9[%get3A_275, %get3A_276] {strides = array<i32>} : memref<1x80xi32, #tpu.memory_space<vmem>>, vector<1x16xi32>,
      %get3A_278 = vector.shape_cast %get3A_277 : vector<1x16xi32> to vector<16xi32>
      %add3A_279 = vector.broadcast %mul3A_0 : i32 to vector<16xi32>
      %add3A_280 = arith.addi %get3A_278, %add3A_279 : vector<16xi32>
      %swap3A_281 = arith.constant 0 : i32
      %swap3A_282 = arith.index_cast %swap3A_281 : i32 to index
      %swap3A_283 = arith.constant 0 : index
      %swap3A_284 = tpu.vector_load %arg9[%swap3A_282, %swap3A_283] {strides = array<i32>} : memref<1x80xi32, #tpu.memory_space<vmem>>, vector<1x16xi32>,
      %swap3A_285 = vector.shape_cast %swap3A_284 : vector<1x16xi32> to vector<16xi32>
      %swap3A_286 = vector.shape_cast %add3A_280 : vector<16xi32> to vector<1x16xi32>
      tpu.vector_store %arg9[%swap3A_282, %swap3A_283], %swap3A_286 {strides = array<i32>} : memref<1x80xi32, #tpu.memory_space<vmem>>, vector<1x16xi32>,
      %get3A_287 = arith.constant 0 : i32
      %get3A_288 = arith.index_cast %get3A_287 : i32 to index
      %get3A_289 = arith.constant 16 : index
      %get3A_290 = tpu.vector_load %arg9[%get3A_288, %get3A_289] {strides = array<i32>} : memref<1x80xi32, #tpu.memory_space<vmem>>, vector<1x16xi32>,
      %get3A_291 = vector.shape_cast %get3A_290 : vector<1x16xi32> to vector<16xi32>
      %add3A_292 = vector.broadcast %mul3A_0 : i32 to vector<16xi32>
      %add3A_293 = arith.addi %get3A_291, %add3A_292 : vector<16xi32>
      %swap3A_294 = arith.constant 0 : i32
      %swap3A_295 = arith.index_cast %swap3A_294 : i32 to index
      %swap3A_296 = arith.constant 16 : index
      %swap3A_297 = tpu.vector_load %arg9[%swap3A_295, %swap3A_296] {strides = array<i32>} : memref<1x80xi32, #tpu.memory_space<vmem>>, vector<1x16xi32>,
      %swap3A_298 = vector.shape_cast %swap3A_297 : vector<1x16xi32> to vector<16xi32>
      %swap3A_299 = vector.shape_cast %add3A_293 : vector<16xi32> to vector<1x16xi32>
      tpu.vector_store %arg9[%swap3A_295, %swap3A_296], %swap3A_299 {strides = array<i32>} : memref<1x80xi32, #tpu.memory_space<vmem>>, vector<1x16xi32>,
      %get3A_300 = arith.constant 0 : i32
      %get3A_301 = arith.index_cast %get3A_300 : i32 to index
      %get3A_302 = arith.constant 32 : index
      %get3A_303 = tpu.vector_load %arg9[%get3A_301, %get3A_302] {strides = array<i32>} : memref<1x80xi32, #tpu.memory_space<vmem>>, vector<1x16xi32>,
      %get3A_304 = vector.shape_cast %get3A_303 : vector<1x16xi32> to vector<16xi32>
      %add3A_305 = vector.broadcast %mul3A_0 : i32 to vector<16xi32>
      %add3A_306 = arith.addi %get3A_304, %add3A_305 : vector<16xi32>
      %swap3A_307 = arith.constant 0 : i32
      %swap3A_308 = arith.index_cast %swap3A_307 : i32 to index
      %swap3A_309 = arith.constant 32 : index
      %swap3A_310 = tpu.vector_load %arg9[%swap3A_308, %swap3A_309] {strides = array<i32>} : memref<1x80xi32, #tpu.memory_space<vmem>>, vector<1x16xi32>,
      %swap3A_311 = vector.shape_cast %swap3A_310 : vector<1x16xi32> to vector<16xi32>
      %swap3A_312 = vector.shape_cast %add3A_306 : vector<16xi32> to vector<1x16xi32>
      tpu.vector_store %arg9[%swap3A_308, %swap3A_309], %swap3A_312 {strides = array<i32>} : memref<1x80xi32, #tpu.memory_space<vmem>>, vector<1x16xi32>,
      %get3A_313 = arith.constant 0 : i32
      %get3A_314 = arith.index_cast %get3A_313 : i32 to index
      %get3A_315 = arith.constant 48 : index
      %get3A_316 = tpu.vector_load %arg9[%get3A_314, %get3A_315] {strides = array<i32>} : memref<1x80xi32, #tpu.memory_space<vmem>>, vector<1x16xi32>,
      %get3A_317 = vector.shape_cast %get3A_316 : vector<1x16xi32> to vector<16xi32>
      %add3A_318 = vector.broadcast %mul3A_0 : i32 to vector<16xi32>
      %add3A_319 = arith.addi %get3A_317, %add3A_318 : vector<16xi32>
      %swap3A_320 = arith.constant 0 : i32
      %swap3A_321 = arith.index_cast %swap3A_320 : i32 to index
      %swap3A_322 = arith.constant 48 : index
      %swap3A_323 = tpu.vector_load %arg9[%swap3A_321, %swap3A_322] {strides = array<i32>} : memref<1x80xi32, #tpu.memory_space<vmem>>, vector<1x16xi32>,
      %swap3A_324 = vector.shape_cast %swap3A_323 : vector<1x16xi32> to vector<16xi32>
      %swap3A_325 = vector.shape_cast %add3A_319 : vector<16xi32> to vector<1x16xi32>
      tpu.vector_store %arg9[%swap3A_321, %swap3A_322], %swap3A_325 {strides = array<i32>} : memref<1x80xi32, #tpu.memory_space<vmem>>, vector<1x16xi32>,
      %get3A_326 = arith.constant 0 : i32
      %get3A_327 = arith.index_cast %get3A_326 : i32 to index
      %get3A_328 = arith.constant 64 : index
      %get3A_329 = tpu.vector_load %arg9[%get3A_327, %get3A_328] {strides = array<i32>} : memref<1x80xi32, #tpu.memory_space<vmem>>, vector<1x16xi32>,
      %get3A_330 = vector.shape_cast %get3A_329 : vector<1x16xi32> to vector<16xi32>
      %add3A_331 = vector.broadcast %mul3A_0 : i32 to vector<16xi32>
      %add3A_332 = arith.addi %get3A_330, %add3A_331 : vector<16xi32>
      %swap3A_333 = arith.constant 0 : i32
      %swap3A_334 = arith.index_cast %swap3A_333 : i32 to index
      %swap3A_335 = arith.constant 64 : index
      %swap3A_336 = tpu.vector_load %arg9[%swap3A_334, %swap3A_335] {strides = array<i32>} : memref<1x80xi32, #tpu.memory_space<vmem>>, vector<1x16xi32>,
      %swap3A_337 = vector.shape_cast %swap3A_336 : vector<1x16xi32> to vector<16xi32>
      %swap3A_338 = vector.shape_cast %add3A_332 : vector<16xi32> to vector<1x16xi32>
      tpu.vector_store %arg9[%swap3A_334, %swap3A_335], %swap3A_338 {strides = array<i32>} : memref<1x80xi32, #tpu.memory_space<vmem>>, vector<1x16xi32>,
      %dma_start3A_339 = arith.constant 0 : i32
      %dma_start3A_340 = arith.constant 0 : i32
      %dma_start3A_341 = tpu.memref_slice %arg9[%dma_start3A_339, %dma_start3A_340] : memref<1x80xi32, #tpu.memory_space<vmem>> -> memref<1x80xi32, #tpu.memory_space<vmem>>
      %dma_start3A_342 = tpu.memref_squeeze %dma_start3A_341 : memref<1x80xi32, #tpu.memory_space<vmem>> -> memref<80xi32, #tpu.memory_space<vmem>>
      %dma_start3A_343 = arith.constant 0 : i32
      %dma_start3A_344 = arith.constant 0 : i32
      %dma_start3A_345 = tpu.memref_slice %arg3[%dma_start3A_343, %dma_start3A_344] : memref<20000x128xf32, #tpu.memory_space<hbm>> -> memref<20000x128xf32, #tpu.memory_space<hbm>>
      tpu.enqueue_indirect_dma source(%dma_start3A_345 : memref<20000x128xf32, #tpu.memory_space<hbm>>) target(%arg12 : memref<80x128xf32, #tpu.memory_space<vmem>>) offsets(%dma_start3A_342 : memref<80xi32, #tpu.memory_space<vmem>>) semaphore(%arg18 : memref<!tpu.dma_semaphore, #tpu.memory_space<semaphore_mem>>)
      %dma_wait3A_346 = arith.constant 0 : i32
      %dma_wait3A_347 = arith.constant 0 : i32
      %dma_wait3A_348 = tpu.memref_slice %arg7[%dma_wait3A_346, %dma_wait3A_347] : memref<1x80xi32, #tpu.memory_space<vmem>> -> memref<1x80xi32, #tpu.memory_space<vmem>>
      %dma_wait3A_349 = tpu.memref_squeeze %dma_wait3A_348 : memref<1x80xi32, #tpu.memory_space<vmem>> -> memref<80xi32, #tpu.memory_space<vmem>>
      %dma_wait3A_350 = arith.constant 0 : i32
      %dma_wait3A_351 = arith.constant 0 : i32
      %dma_wait3A_352 = tpu.memref_slice %arg3[%dma_wait3A_350, %dma_wait3A_351] : memref<20000x128xf32, #tpu.memory_space<hbm>> -> memref<20000x128xf32, #tpu.memory_space<hbm>>
      tpu.wait_indirect_dma semaphore(%arg16 : memref<!tpu.dma_semaphore, #tpu.memory_space<semaphore_mem>>) src(%dma_wait3A_352 : memref<20000x128xf32, #tpu.memory_space<hbm>>) dst(%arg10 : memref<80x128xf32, #tpu.memory_space<vmem>>)
      %dma_start3A_353 = arith.constant 0 : i32
      %dma_start3A_354 = arith.constant 0 : i32
      %dma_start3A_355 = tpu.memref_slice %arg6[%mul3A_258, %dma_start3A_353, %dma_start3A_354] : memref<125x1x80xi32, #tpu.memory_space<vmem>> -> memref<1x1x80xi32, #tpu.memory_space<vmem>>
      %dma_start3A_356 = tpu.memref_squeeze %dma_start3A_355 : memref<1x1x80xi32, #tpu.memory_space<vmem>> -> memref<80xi32, #tpu.memory_space<vmem>>
      %dma_start3A_357 = arith.constant 0 : i32
      %dma_start3A_358 = arith.constant 0 : i32
      %dma_start3A_359 = tpu.memref_slice %arg5[%dma_start3A_357, %dma_start3A_358] : memref<10240x128xf32, #tpu.memory_space<vmem_shared>> -> memref<10240x128xf32, #tpu.memory_space<vmem_shared>>
      tpu.enqueue_indirect_dma source(%arg10 : memref<80x128xf32, #tpu.memory_space<vmem>>) target(%dma_start3A_359 : memref<10240x128xf32, #tpu.memory_space<vmem_shared>>) offsets(%dma_start3A_356 : memref<80xi32, #tpu.memory_space<vmem>>) semaphore(%arg19 : memref<!tpu.dma_semaphore, #tpu.memory_space<semaphore_mem>>) {add = true}
      %add3A_360 = arith.constant 3 : i32
      %add3A_361 = arith.addi %mul3A_258, %add3A_360 : i32
      %lt3A = arith.constant 125 : i32
      %lt3A_362 = arith.cmpi slt, %add3A_361, %lt3A : i32
      %convert_element_type3A_363 = arith.extui %lt3A_362 : i1 to i32
      %cond3A_364 = arith.constant 0 : i32
      %cond3A_365 = arith.cmpi ne, %convert_element_type3A_363, %cond3A_364 : i32
      scf.if %cond3A_365 {
        %add3A_588 = arith.constant 3 : i32
        %add3A_589 = arith.addi %mul3A_258, %add3A_588 : i32
        %dma_start3A_590 = arith.constant 0 : i32
        %dma_start3A_591 = arith.constant 0 : i32
        %dma_start3A_592 = arith.constant 0 : i32
        %dma_start3A_593 = tpu.memref_slice %arg2[%dma_start3A_590, %arg1, %add3A_589, %dma_start3A_591, %dma_start3A_592] : memref<2x16x125x1x80xi32, #tpu.memory_space<hbm>> -> memref<1x1x1x1x80xi32, #tpu.memory_space<hbm>>
        %dma_start3A_594 = tpu.memref_squeeze %dma_start3A_593 : memref<1x1x1x1x80xi32, #tpu.memory_space<hbm>> -> memref<1x80xi32, #tpu.memory_space<hbm>>
        %dma_start3A_595 = arith.constant 0 : i32
        %dma_start3A_596 = arith.constant 0 : i32
        %dma_start3A_597 = tpu.memref_slice %arg2[%dma_start3A_590, %arg1, %add3A_589, %dma_start3A_595, %dma_start3A_596] : memref<2x16x125x1x80xi32, #tpu.memory_space<hbm>> -> memref<1x1x1x1x80xi32, #tpu.memory_space<hbm>>
        %dma_start3A_598 = tpu.memref_squeeze %dma_start3A_597 : memref<1x1x1x1x80xi32, #tpu.memory_space<hbm>> -> memref<1x80xi32, #tpu.memory_space<hbm>>
        tpu.enqueue_dma source(%dma_start3A_598 : memref<1x80xi32, #tpu.memory_space<hbm>>) target(%arg7 : memref<1x80xi32, #tpu.memory_space<vmem>>) target_semaphore(%arg13 : memref<!tpu.dma_semaphore, #tpu.memory_space<semaphore_mem>>)
      } else {
      }
      %add3A_366 = arith.constant 1 : i32
      %add3A_367 = arith.addi %mul3A_258, %add3A_366 : i32
      %gt3A_368 = arith.constant 0 : i32
      %gt3A_369 = arith.cmpi sgt, %add3A_367, %gt3A_368 : i32
      %convert_element_type3A_370 = arith.extui %gt3A_369 : i1 to i32
      %cond3A_371 = arith.constant 0 : i32
      %cond3A_372 = arith.cmpi ne, %convert_element_type3A_370, %cond3A_371 : i32
      scf.if %cond3A_372 {
        %sub3A = arith.constant 1 : i32
        %sub3A_588 = arith.subi %add3A_367, %sub3A : i32
        %dma_wait3A_589 = arith.constant 0 : i32
        %dma_wait3A_590 = arith.constant 0 : i32
        %dma_wait3A_591 = tpu.memref_slice %arg6[%sub3A_588, %dma_wait3A_589, %dma_wait3A_590] : memref<125x1x80xi32, #tpu.memory_space<vmem>> -> memref<1x1x80xi32, #tpu.memory_space<vmem>>
        %dma_wait3A_592 = tpu.memref_squeeze %dma_wait3A_591 : memref<1x1x80xi32, #tpu.memory_space<vmem>> -> memref<80xi32, #tpu.memory_space<vmem>>
        %dma_wait3A_593 = arith.constant 0 : i32
        %dma_wait3A_594 = arith.constant 0 : i32
        %dma_wait3A_595 = tpu.memref_slice %arg5[%dma_wait3A_593, %dma_wait3A_594] : memref<10240x128xf32, #tpu.memory_space<vmem_shared>> -> memref<10240x128xf32, #tpu.memory_space<vmem_shared>>
        tpu.wait_indirect_dma semaphore(%arg19 : memref<!tpu.dma_semaphore, #tpu.memory_space<semaphore_mem>>) src(%arg10 : memref<80x128xf32, #tpu.memory_space<vmem>>) dst(%dma_wait3A_595 : memref<10240x128xf32, #tpu.memory_space<vmem_shared>>)
      } else {
      }
      %add3A_373 = arith.constant 2 : i32
      %add3A_374 = arith.addi %add3A_367, %add3A_373 : i32
      %dma_wait3A_375 = arith.constant 0 : i32
      %dma_wait3A_376 = arith.constant 0 : i32
      %dma_wait3A_377 = arith.constant 0 : i32
      %dma_wait3A_378 = tpu.memref_slice %arg2[%dma_wait3A_375, %arg1, %add3A_374, %dma_wait3A_376, %dma_wait3A_377] : memref<2x16x125x1x80xi32, #tpu.memory_space<hbm>> -> memref<1x1x1x1x80xi32, #tpu.memory_space<hbm>>
      %dma_wait3A_379 = tpu.memref_squeeze %dma_wait3A_378 : memref<1x1x1x1x80xi32, #tpu.memory_space<hbm>> -> memref<1x80xi32, #tpu.memory_space<hbm>>
      %dma_wait3A_380 = arith.constant 0 : i32
      %dma_wait3A_381 = arith.constant 0 : i32
      %dma_wait3A_382 = tpu.memref_slice %arg2[%dma_wait3A_375, %arg1, %add3A_374, %dma_wait3A_380, %dma_wait3A_381] : memref<2x16x125x1x80xi32, #tpu.memory_space<hbm>> -> memref<1x1x1x1x80xi32, #tpu.memory_space<hbm>>
      %dma_wait3A_383 = tpu.memref_squeeze %dma_wait3A_382 : memref<1x1x1x1x80xi32, #tpu.memory_space<hbm>> -> memref<1x80xi32, #tpu.memory_space<hbm>>
      tpu.wait_dma2 semaphore(%arg13 : memref<!tpu.dma_semaphore, #tpu.memory_space<semaphore_mem>>) src(%dma_wait3A_383 : memref<1x80xi32, #tpu.memory_space<hbm>>) dst(%arg7 : memref<1x80xi32, #tpu.memory_space<vmem>>)
      %get3A_384 = arith.constant 0 : i32
      %get3A_385 = arith.index_cast %get3A_384 : i32 to index
      %get3A_386 = arith.constant 0 : index
      %get3A_387 = tpu.vector_load %arg7[%get3A_385, %get3A_386] {strides = array<i32>} : memref<1x80xi32, #tpu.memory_space<vmem>>, vector<1x16xi32>,
      %get3A_388 = vector.shape_cast %get3A_387 : vector<1x16xi32> to vector<16xi32>
      %add3A_389 = vector.broadcast %mul3A_0 : i32 to vector<16xi32>
      %add3A_390 = arith.addi %get3A_388, %add3A_389 : vector<16xi32>
      %swap3A_391 = arith.constant 0 : i32
      %swap3A_392 = arith.index_cast %swap3A_391 : i32 to index
      %swap3A_393 = arith.constant 0 : index
      %swap3A_394 = tpu.vector_load %arg7[%swap3A_392, %swap3A_393] {strides = array<i32>} : memref<1x80xi32, #tpu.memory_space<vmem>>, vector<1x16xi32>,
      %swap3A_395 = vector.shape_cast %swap3A_394 : vector<1x16xi32> to vector<16xi32>
      %swap3A_396 = vector.shape_cast %add3A_390 : vector<16xi32> to vector<1x16xi32>
      tpu.vector_store %arg7[%swap3A_392, %swap3A_393], %swap3A_396 {strides = array<i32>} : memref<1x80xi32, #tpu.memory_space<vmem>>, vector<1x16xi32>,
      %get3A_397 = arith.constant 0 : i32
      %get3A_398 = arith.index_cast %get3A_397 : i32 to index
      %get3A_399 = arith.constant 16 : index
      %get3A_400 = tpu.vector_load %arg7[%get3A_398, %get3A_399] {strides = array<i32>} : memref<1x80xi32, #tpu.memory_space<vmem>>, vector<1x16xi32>,
      %get3A_401 = vector.shape_cast %get3A_400 : vector<1x16xi32> to vector<16xi32>
      %add3A_402 = vector.broadcast %mul3A_0 : i32 to vector<16xi32>
      %add3A_403 = arith.addi %get3A_401, %add3A_402 : vector<16xi32>
      %swap3A_404 = arith.constant 0 : i32
      %swap3A_405 = arith.index_cast %swap3A_404 : i32 to index
      %swap3A_406 = arith.constant 16 : index
      %swap3A_407 = tpu.vector_load %arg7[%swap3A_405, %swap3A_406] {strides = array<i32>} : memref<1x80xi32, #tpu.memory_space<vmem>>, vector<1x16xi32>,
      %swap3A_408 = vector.shape_cast %swap3A_407 : vector<1x16xi32> to vector<16xi32>
      %swap3A_409 = vector.shape_cast %add3A_403 : vector<16xi32> to vector<1x16xi32>
      tpu.vector_store %arg7[%swap3A_405, %swap3A_406], %swap3A_409 {strides = array<i32>} : memref<1x80xi32, #tpu.memory_space<vmem>>, vector<1x16xi32>,
      %get3A_410 = arith.constant 0 : i32
      %get3A_411 = arith.index_cast %get3A_410 : i32 to index
      %get3A_412 = arith.constant 32 : index
      %get3A_413 = tpu.vector_load %arg7[%get3A_411, %get3A_412] {strides = array<i32>} : memref<1x80xi32, #tpu.memory_space<vmem>>, vector<1x16xi32>,
      %get3A_414 = vector.shape_cast %get3A_413 : vector<1x16xi32> to vector<16xi32>
      %add3A_415 = vector.broadcast %mul3A_0 : i32 to vector<16xi32>
      %add3A_416 = arith.addi %get3A_414, %add3A_415 : vector<16xi32>
      %swap3A_417 = arith.constant 0 : i32
      %swap3A_418 = arith.index_cast %swap3A_417 : i32 to index
      %swap3A_419 = arith.constant 32 : index
      %swap3A_420 = tpu.vector_load %arg7[%swap3A_418, %swap3A_419] {strides = array<i32>} : memref<1x80xi32, #tpu.memory_space<vmem>>, vector<1x16xi32>,
      %swap3A_421 = vector.shape_cast %swap3A_420 : vector<1x16xi32> to vector<16xi32>
      %swap3A_422 = vector.shape_cast %add3A_416 : vector<16xi32> to vector<1x16xi32>
      tpu.vector_store %arg7[%swap3A_418, %swap3A_419], %swap3A_422 {strides = array<i32>} : memref<1x80xi32, #tpu.memory_space<vmem>>, vector<1x16xi32>,
      %get3A_423 = arith.constant 0 : i32
      %get3A_424 = arith.index_cast %get3A_423 : i32 to index
      %get3A_425 = arith.constant 48 : index
      %get3A_426 = tpu.vector_load %arg7[%get3A_424, %get3A_425] {strides = array<i32>} : memref<1x80xi32, #tpu.memory_space<vmem>>, vector<1x16xi32>,
      %get3A_427 = vector.shape_cast %get3A_426 : vector<1x16xi32> to vector<16xi32>
      %add3A_428 = vector.broadcast %mul3A_0 : i32 to vector<16xi32>
      %add3A_429 = arith.addi %get3A_427, %add3A_428 : vector<16xi32>
      %swap3A_430 = arith.constant 0 : i32
      %swap3A_431 = arith.index_cast %swap3A_430 : i32 to index
      %swap3A_432 = arith.constant 48 : index
      %swap3A_433 = tpu.vector_load %arg7[%swap3A_431, %swap3A_432] {strides = array<i32>} : memref<1x80xi32, #tpu.memory_space<vmem>>, vector<1x16xi32>,
      %swap3A_434 = vector.shape_cast %swap3A_433 : vector<1x16xi32> to vector<16xi32>
      %swap3A_435 = vector.shape_cast %add3A_429 : vector<16xi32> to vector<1x16xi32>
      tpu.vector_store %arg7[%swap3A_431, %swap3A_432], %swap3A_435 {strides = array<i32>} : memref<1x80xi32, #tpu.memory_space<vmem>>, vector<1x16xi32>,
      %get3A_436 = arith.constant 0 : i32
      %get3A_437 = arith.index_cast %get3A_436 : i32 to index
      %get3A_438 = arith.constant 64 : index
      %get3A_439 = tpu.vector_load %arg7[%get3A_437, %get3A_438] {strides = array<i32>} : memref<1x80xi32, #tpu.memory_space<vmem>>, vector<1x16xi32>,
      %get3A_440 = vector.shape_cast %get3A_439 : vector<1x16xi32> to vector<16xi32>
      %add3A_441 = vector.broadcast %mul3A_0 : i32 to vector<16xi32>
      %add3A_442 = arith.addi %get3A_440, %add3A_441 : vector<16xi32>
      %swap3A_443 = arith.constant 0 : i32
      %swap3A_444 = arith.index_cast %swap3A_443 : i32 to index
      %swap3A_445 = arith.constant 64 : index
      %swap3A_446 = tpu.vector_load %arg7[%swap3A_444, %swap3A_445] {strides = array<i32>} : memref<1x80xi32, #tpu.memory_space<vmem>>, vector<1x16xi32>,
      %swap3A_447 = vector.shape_cast %swap3A_446 : vector<1x16xi32> to vector<16xi32>
      %swap3A_448 = vector.shape_cast %add3A_442 : vector<16xi32> to vector<1x16xi32>
      tpu.vector_store %arg7[%swap3A_444, %swap3A_445], %swap3A_448 {strides = array<i32>} : memref<1x80xi32, #tpu.memory_space<vmem>>, vector<1x16xi32>,
      %dma_start3A_449 = arith.constant 0 : i32
      %dma_start3A_450 = arith.constant 0 : i32
      %dma_start3A_451 = tpu.memref_slice %arg7[%dma_start3A_449, %dma_start3A_450] : memref<1x80xi32, #tpu.memory_space<vmem>> -> memref<1x80xi32, #tpu.memory_space<vmem>>
      %dma_start3A_452 = tpu.memref_squeeze %dma_start3A_451 : memref<1x80xi32, #tpu.memory_space<vmem>> -> memref<80xi32, #tpu.memory_space<vmem>>
      %dma_start3A_453 = arith.constant 0 : i32
      %dma_start3A_454 = arith.constant 0 : i32
      %dma_start3A_455 = tpu.memref_slice %arg3[%dma_start3A_453, %dma_start3A_454] : memref<20000x128xf32, #tpu.memory_space<hbm>> -> memref<20000x128xf32, #tpu.memory_space<hbm>>
      tpu.enqueue_indirect_dma source(%dma_start3A_455 : memref<20000x128xf32, #tpu.memory_space<hbm>>) target(%arg10 : memref<80x128xf32, #tpu.memory_space<vmem>>) offsets(%dma_start3A_452 : memref<80xi32, #tpu.memory_space<vmem>>) semaphore(%arg16 : memref<!tpu.dma_semaphore, #tpu.memory_space<semaphore_mem>>)
      %dma_wait3A_456 = arith.constant 0 : i32
      %dma_wait3A_457 = arith.constant 0 : i32
      %dma_wait3A_458 = tpu.memref_slice %arg8[%dma_wait3A_456, %dma_wait3A_457] : memref<1x80xi32, #tpu.memory_space<vmem>> -> memref<1x80xi32, #tpu.memory_space<vmem>>
      %dma_wait3A_459 = tpu.memref_squeeze %dma_wait3A_458 : memref<1x80xi32, #tpu.memory_space<vmem>> -> memref<80xi32, #tpu.memory_space<vmem>>
      %dma_wait3A_460 = arith.constant 0 : i32
      %dma_wait3A_461 = arith.constant 0 : i32
      %dma_wait3A_462 = tpu.memref_slice %arg3[%dma_wait3A_460, %dma_wait3A_461] : memref<20000x128xf32, #tpu.memory_space<hbm>> -> memref<20000x128xf32, #tpu.memory_space<hbm>>
      tpu.wait_indirect_dma semaphore(%arg17 : memref<!tpu.dma_semaphore, #tpu.memory_space<semaphore_mem>>) src(%dma_wait3A_462 : memref<20000x128xf32, #tpu.memory_space<hbm>>) dst(%arg11 : memref<80x128xf32, #tpu.memory_space<vmem>>)
      %dma_start3A_463 = arith.constant 0 : i32
      %dma_start3A_464 = arith.constant 0 : i32
      %dma_start3A_465 = tpu.memref_slice %arg6[%add3A_367, %dma_start3A_463, %dma_start3A_464] : memref<125x1x80xi32, #tpu.memory_space<vmem>> -> memref<1x1x80xi32, #tpu.memory_space<vmem>>
      %dma_start3A_466 = tpu.memref_squeeze %dma_start3A_465 : memref<1x1x80xi32, #tpu.memory_space<vmem>> -> memref<80xi32, #tpu.memory_space<vmem>>
      %dma_start3A_467 = arith.constant 0 : i32
      %dma_start3A_468 = arith.constant 0 : i32
      %dma_start3A_469 = tpu.memref_slice %arg5[%dma_start3A_467, %dma_start3A_468] : memref<10240x128xf32, #tpu.memory_space<vmem_shared>> -> memref<10240x128xf32, #tpu.memory_space<vmem_shared>>
      tpu.enqueue_indirect_dma source(%arg11 : memref<80x128xf32, #tpu.memory_space<vmem>>) target(%dma_start3A_469 : memref<10240x128xf32, #tpu.memory_space<vmem_shared>>) offsets(%dma_start3A_466 : memref<80xi32, #tpu.memory_space<vmem>>) semaphore(%arg20 : memref<!tpu.dma_semaphore, #tpu.memory_space<semaphore_mem>>) {add = true}
      %add3A_470 = arith.constant 3 : i32
      %add3A_471 = arith.addi %add3A_367, %add3A_470 : i32
      %lt3A_472 = arith.constant 125 : i32
      %lt3A_473 = arith.cmpi slt, %add3A_471, %lt3A_472 : i32
      %convert_element_type3A_474 = arith.extui %lt3A_473 : i1 to i32
      %cond3A_475 = arith.constant 0 : i32
      %cond3A_476 = arith.cmpi ne, %convert_element_type3A_474, %cond3A_475 : i32
      scf.if %cond3A_476 {
        %add3A_588 = arith.constant 3 : i32
        %add3A_589 = arith.addi %add3A_367, %add3A_588 : i32
        %dma_start3A_590 = arith.constant 0 : i32
        %dma_start3A_591 = arith.constant 0 : i32
        %dma_start3A_592 = arith.constant 0 : i32
        %dma_start3A_593 = tpu.memref_slice %arg2[%dma_start3A_590, %arg1, %add3A_589, %dma_start3A_591, %dma_start3A_592] : memref<2x16x125x1x80xi32, #tpu.memory_space<hbm>> -> memref<1x1x1x1x80xi32, #tpu.memory_space<hbm>>
        %dma_start3A_594 = tpu.memref_squeeze %dma_start3A_593 : memref<1x1x1x1x80xi32, #tpu.memory_space<hbm>> -> memref<1x80xi32, #tpu.memory_space<hbm>>
        %dma_start3A_595 = arith.constant 0 : i32
        %dma_start3A_596 = arith.constant 0 : i32
        %dma_start3A_597 = tpu.memref_slice %arg2[%dma_start3A_590, %arg1, %add3A_589, %dma_start3A_595, %dma_start3A_596] : memref<2x16x125x1x80xi32, #tpu.memory_space<hbm>> -> memref<1x1x1x1x80xi32, #tpu.memory_space<hbm>>
        %dma_start3A_598 = tpu.memref_squeeze %dma_start3A_597 : memref<1x1x1x1x80xi32, #tpu.memory_space<hbm>> -> memref<1x80xi32, #tpu.memory_space<hbm>>
        tpu.enqueue_dma source(%dma_start3A_598 : memref<1x80xi32, #tpu.memory_space<hbm>>) target(%arg8 : memref<1x80xi32, #tpu.memory_space<vmem>>) target_semaphore(%arg14 : memref<!tpu.dma_semaphore, #tpu.memory_space<semaphore_mem>>)
      } else {
      }
      %add3A_477 = arith.constant 2 : i32
      %add3A_478 = arith.addi %mul3A_258, %add3A_477 : i32
      %gt3A_479 = arith.constant 0 : i32
      %gt3A_480 = arith.cmpi sgt, %add3A_478, %gt3A_479 : i32
      %convert_element_type3A_481 = arith.extui %gt3A_480 : i1 to i32
      %cond3A_482 = arith.constant 0 : i32
      %cond3A_483 = arith.cmpi ne, %convert_element_type3A_481, %cond3A_482 : i32
      scf.if %cond3A_483 {
        %sub3A = arith.constant 1 : i32
        %sub3A_588 = arith.subi %add3A_478, %sub3A : i32
        %dma_wait3A_589 = arith.constant 0 : i32
        %dma_wait3A_590 = arith.constant 0 : i32
        %dma_wait3A_591 = tpu.memref_slice %arg6[%sub3A_588, %dma_wait3A_589, %dma_wait3A_590] : memref<125x1x80xi32, #tpu.memory_space<vmem>> -> memref<1x1x80xi32, #tpu.memory_space<vmem>>
        %dma_wait3A_592 = tpu.memref_squeeze %dma_wait3A_591 : memref<1x1x80xi32, #tpu.memory_space<vmem>> -> memref<80xi32, #tpu.memory_space<vmem>>
        %dma_wait3A_593 = arith.constant 0 : i32
        %dma_wait3A_594 = arith.constant 0 : i32
        %dma_wait3A_595 = tpu.memref_slice %arg5[%dma_wait3A_593, %dma_wait3A_594] : memref<10240x128xf32, #tpu.memory_space<vmem_shared>> -> memref<10240x128xf32, #tpu.memory_space<vmem_shared>>
        tpu.wait_indirect_dma semaphore(%arg20 : memref<!tpu.dma_semaphore, #tpu.memory_space<semaphore_mem>>) src(%arg11 : memref<80x128xf32, #tpu.memory_space<vmem>>) dst(%dma_wait3A_595 : memref<10240x128xf32, #tpu.memory_space<vmem_shared>>)
      } else {
      }
      %add3A_484 = arith.constant 2 : i32
      %add3A_485 = arith.addi %add3A_478, %add3A_484 : i32
      %dma_wait3A_486 = arith.constant 0 : i32
      %dma_wait3A_487 = arith.constant 0 : i32
      %dma_wait3A_488 = arith.constant 0 : i32
      %dma_wait3A_489 = tpu.memref_slice %arg2[%dma_wait3A_486, %arg1, %add3A_485, %dma_wait3A_487, %dma_wait3A_488] : memref<2x16x125x1x80xi32, #tpu.memory_space<hbm>> -> memref<1x1x1x1x80xi32, #tpu.memory_space<hbm>>
      %dma_wait3A_490 = tpu.memref_squeeze %dma_wait3A_489 : memref<1x1x1x1x80xi32, #tpu.memory_space<hbm>> -> memref<1x80xi32, #tpu.memory_space<hbm>>
      %dma_wait3A_491 = arith.constant 0 : i32
      %dma_wait3A_492 = arith.constant 0 : i32
      %dma_wait3A_493 = tpu.memref_slice %arg2[%dma_wait3A_486, %arg1, %add3A_485, %dma_wait3A_491, %dma_wait3A_492] : memref<2x16x125x1x80xi32, #tpu.memory_space<hbm>> -> memref<1x1x1x1x80xi32, #tpu.memory_space<hbm>>
      %dma_wait3A_494 = tpu.memref_squeeze %dma_wait3A_493 : memref<1x1x1x1x80xi32, #tpu.memory_space<hbm>> -> memref<1x80xi32, #tpu.memory_space<hbm>>
      tpu.wait_dma2 semaphore(%arg14 : memref<!tpu.dma_semaphore, #tpu.memory_space<semaphore_mem>>) src(%dma_wait3A_494 : memref<1x80xi32, #tpu.memory_space<hbm>>) dst(%arg8 : memref<1x80xi32, #tpu.memory_space<vmem>>)
      %get3A_495 = arith.constant 0 : i32
      %get3A_496 = arith.index_cast %get3A_495 : i32 to index
      %get3A_497 = arith.constant 0 : index
      %get3A_498 = tpu.vector_load %arg8[%get3A_496, %get3A_497] {strides = array<i32>} : memref<1x80xi32, #tpu.memory_space<vmem>>, vector<1x16xi32>,
      %get3A_499 = vector.shape_cast %get3A_498 : vector<1x16xi32> to vector<16xi32>
      %add3A_500 = vector.broadcast %mul3A_0 : i32 to vector<16xi32>
      %add3A_501 = arith.addi %get3A_499, %add3A_500 : vector<16xi32>
      %swap3A_502 = arith.constant 0 : i32
      %swap3A_503 = arith.index_cast %swap3A_502 : i32 to index
      %swap3A_504 = arith.constant 0 : index
      %swap3A_505 = tpu.vector_load %arg8[%swap3A_503, %swap3A_504] {strides = array<i32>} : memref<1x80xi32, #tpu.memory_space<vmem>>, vector<1x16xi32>,
      %swap3A_506 = vector.shape_cast %swap3A_505 : vector<1x16xi32> to vector<16xi32>
      %swap3A_507 = vector.shape_cast %add3A_501 : vector<16xi32> to vector<1x16xi32>
      tpu.vector_store %arg8[%swap3A_503, %swap3A_504], %swap3A_507 {strides = array<i32>} : memref<1x80xi32, #tpu.memory_space<vmem>>, vector<1x16xi32>,
      %get3A_508 = arith.constant 0 : i32
      %get3A_509 = arith.index_cast %get3A_508 : i32 to index
      %get3A_510 = arith.constant 16 : index
      %get3A_511 = tpu.vector_load %arg8[%get3A_509, %get3A_510] {strides = array<i32>} : memref<1x80xi32, #tpu.memory_space<vmem>>, vector<1x16xi32>,
      %get3A_512 = vector.shape_cast %get3A_511 : vector<1x16xi32> to vector<16xi32>
      %add3A_513 = vector.broadcast %mul3A_0 : i32 to vector<16xi32>
      %add3A_514 = arith.addi %get3A_512, %add3A_513 : vector<16xi32>
      %swap3A_515 = arith.constant 0 : i32
      %swap3A_516 = arith.index_cast %swap3A_515 : i32 to index
      %swap3A_517 = arith.constant 16 : index
      %swap3A_518 = tpu.vector_load %arg8[%swap3A_516, %swap3A_517] {strides = array<i32>} : memref<1x80xi32, #tpu.memory_space<vmem>>, vector<1x16xi32>,
      %swap3A_519 = vector.shape_cast %swap3A_518 : vector<1x16xi32> to vector<16xi32>
      %swap3A_520 = vector.shape_cast %add3A_514 : vector<16xi32> to vector<1x16xi32>
      tpu.vector_store %arg8[%swap3A_516, %swap3A_517], %swap3A_520 {strides = array<i32>} : memref<1x80xi32, #tpu.memory_space<vmem>>, vector<1x16xi32>,
      %get3A_521 = arith.constant 0 : i32
      %get3A_522 = arith.index_cast %get3A_521 : i32 to index
      %get3A_523 = arith.constant 32 : index
      %get3A_524 = tpu.vector_load %arg8[%get3A_522, %get3A_523] {strides = array<i32>} : memref<1x80xi32, #tpu.memory_space<vmem>>, vector<1x16xi32>,
      %get3A_525 = vector.shape_cast %get3A_524 : vector<1x16xi32> to vector<16xi32>
      %add3A_526 = vector.broadcast %mul3A_0 : i32 to vector<16xi32>
      %add3A_527 = arith.addi %get3A_525, %add3A_526 : vector<16xi32>
      %swap3A_528 = arith.constant 0 : i32
      %swap3A_529 = arith.index_cast %swap3A_528 : i32 to index
      %swap3A_530 = arith.constant 32 : index
      %swap3A_531 = tpu.vector_load %arg8[%swap3A_529, %swap3A_530] {strides = array<i32>} : memref<1x80xi32, #tpu.memory_space<vmem>>, vector<1x16xi32>,
      %swap3A_532 = vector.shape_cast %swap3A_531 : vector<1x16xi32> to vector<16xi32>
      %swap3A_533 = vector.shape_cast %add3A_527 : vector<16xi32> to vector<1x16xi32>
      tpu.vector_store %arg8[%swap3A_529, %swap3A_530], %swap3A_533 {strides = array<i32>} : memref<1x80xi32, #tpu.memory_space<vmem>>, vector<1x16xi32>,
      %get3A_534 = arith.constant 0 : i32
      %get3A_535 = arith.index_cast %get3A_534 : i32 to index
      %get3A_536 = arith.constant 48 : index
      %get3A_537 = tpu.vector_load %arg8[%get3A_535, %get3A_536] {strides = array<i32>} : memref<1x80xi32, #tpu.memory_space<vmem>>, vector<1x16xi32>,
      %get3A_538 = vector.shape_cast %get3A_537 : vector<1x16xi32> to vector<16xi32>
      %add3A_539 = vector.broadcast %mul3A_0 : i32 to vector<16xi32>
      %add3A_540 = arith.addi %get3A_538, %add3A_539 : vector<16xi32>
      %swap3A_541 = arith.constant 0 : i32
      %swap3A_542 = arith.index_cast %swap3A_541 : i32 to index
      %swap3A_543 = arith.constant 48 : index
      %swap3A_544 = tpu.vector_load %arg8[%swap3A_542, %swap3A_543] {strides = array<i32>} : memref<1x80xi32, #tpu.memory_space<vmem>>, vector<1x16xi32>,
      %swap3A_545 = vector.shape_cast %swap3A_544 : vector<1x16xi32> to vector<16xi32>
      %swap3A_546 = vector.shape_cast %add3A_540 : vector<16xi32> to vector<1x16xi32>
      tpu.vector_store %arg8[%swap3A_542, %swap3A_543], %swap3A_546 {strides = array<i32>} : memref<1x80xi32, #tpu.memory_space<vmem>>, vector<1x16xi32>,
      %get3A_547 = arith.constant 0 : i32
      %get3A_548 = arith.index_cast %get3A_547 : i32 to index
      %get3A_549 = arith.constant 64 : index
      %get3A_550 = tpu.vector_load %arg8[%get3A_548, %get3A_549] {strides = array<i32>} : memref<1x80xi32, #tpu.memory_space<vmem>>, vector<1x16xi32>,
      %get3A_551 = vector.shape_cast %get3A_550 : vector<1x16xi32> to vector<16xi32>
      %add3A_552 = vector.broadcast %mul3A_0 : i32 to vector<16xi32>
      %add3A_553 = arith.addi %get3A_551, %add3A_552 : vector<16xi32>
      %swap3A_554 = arith.constant 0 : i32
      %swap3A_555 = arith.index_cast %swap3A_554 : i32 to index
      %swap3A_556 = arith.constant 64 : index
      %swap3A_557 = tpu.vector_load %arg8[%swap3A_555, %swap3A_556] {strides = array<i32>} : memref<1x80xi32, #tpu.memory_space<vmem>>, vector<1x16xi32>,
      %swap3A_558 = vector.shape_cast %swap3A_557 : vector<1x16xi32> to vector<16xi32>
      %swap3A_559 = vector.shape_cast %add3A_553 : vector<16xi32> to vector<1x16xi32>
      tpu.vector_store %arg8[%swap3A_555, %swap3A_556], %swap3A_559 {strides = array<i32>} : memref<1x80xi32, #tpu.memory_space<vmem>>, vector<1x16xi32>,
      %dma_start3A_560 = arith.constant 0 : i32
      %dma_start3A_561 = arith.constant 0 : i32
      %dma_start3A_562 = tpu.memref_slice %arg8[%dma_start3A_560, %dma_start3A_561] : memref<1x80xi32, #tpu.memory_space<vmem>> -> memref<1x80xi32, #tpu.memory_space<vmem>>
      %dma_start3A_563 = tpu.memref_squeeze %dma_start3A_562 : memref<1x80xi32, #tpu.memory_space<vmem>> -> memref<80xi32, #tpu.memory_space<vmem>>
      %dma_start3A_564 = arith.constant 0 : i32
      %dma_start3A_565 = arith.constant 0 : i32
      %dma_start3A_566 = tpu.memref_slice %arg3[%dma_start3A_564, %dma_start3A_565] : memref<20000x128xf32, #tpu.memory_space<hbm>> -> memref<20000x128xf32, #tpu.memory_space<hbm>>
      tpu.enqueue_indirect_dma source(%dma_start3A_566 : memref<20000x128xf32, #tpu.memory_space<hbm>>) target(%arg11 : memref<80x128xf32, #tpu.memory_space<vmem>>) offsets(%dma_start3A_563 : memref<80xi32, #tpu.memory_space<vmem>>) semaphore(%arg17 : memref<!tpu.dma_semaphore, #tpu.memory_space<semaphore_mem>>)
      %dma_wait3A_567 = arith.constant 0 : i32
      %dma_wait3A_568 = arith.constant 0 : i32
      %dma_wait3A_569 = tpu.memref_slice %arg9[%dma_wait3A_567, %dma_wait3A_568] : memref<1x80xi32, #tpu.memory_space<vmem>> -> memref<1x80xi32, #tpu.memory_space<vmem>>
      %dma_wait3A_570 = tpu.memref_squeeze %dma_wait3A_569 : memref<1x80xi32, #tpu.memory_space<vmem>> -> memref<80xi32, #tpu.memory_space<vmem>>
      %dma_wait3A_571 = arith.constant 0 : i32
      %dma_wait3A_572 = arith.constant 0 : i32
      %dma_wait3A_573 = tpu.memref_slice %arg3[%dma_wait3A_571, %dma_wait3A_572] : memref<20000x128xf32, #tpu.memory_space<hbm>> -> memref<20000x128xf32, #tpu.memory_space<hbm>>
      tpu.wait_indirect_dma semaphore(%arg18 : memref<!tpu.dma_semaphore, #tpu.memory_space<semaphore_mem>>) src(%dma_wait3A_573 : memref<20000x128xf32, #tpu.memory_space<hbm>>) dst(%arg12 : memref<80x128xf32, #tpu.memory_space<vmem>>)
      %dma_start3A_574 = arith.constant 0 : i32
      %dma_start3A_575 = arith.constant 0 : i32
      %dma_start3A_576 = tpu.memref_slice %arg6[%add3A_478, %dma_start3A_574, %dma_start3A_575] : memref<125x1x80xi32, #tpu.memory_space<vmem>> -> memref<1x1x80xi32, #tpu.memory_space<vmem>>
      %dma_start3A_577 = tpu.memref_squeeze %dma_start3A_576 : memref<1x1x80xi32, #tpu.memory_space<vmem>> -> memref<80xi32, #tpu.memory_space<vmem>>
      %dma_start3A_578 = arith.constant 0 : i32
      %dma_start3A_579 = arith.constant 0 : i32
      %dma_start3A_580 = tpu.memref_slice %arg5[%dma_start3A_578, %dma_start3A_579] : memref<10240x128xf32, #tpu.memory_space<vmem_shared>> -> memref<10240x128xf32, #tpu.memory_space<vmem_shared>>
      tpu.enqueue_indirect_dma source(%arg12 : memref<80x128xf32, #tpu.memory_space<vmem>>) target(%dma_start3A_580 : memref<10240x128xf32, #tpu.memory_space<vmem_shared>>) offsets(%dma_start3A_577 : memref<80xi32, #tpu.memory_space<vmem>>) semaphore(%arg21 : memref<!tpu.dma_semaphore, #tpu.memory_space<semaphore_mem>>) {add = true}
      %add3A_581 = arith.constant 3 : i32
      %add3A_582 = arith.addi %add3A_478, %add3A_581 : i32
      %lt3A_583 = arith.constant 125 : i32
      %lt3A_584 = arith.cmpi slt, %add3A_582, %lt3A_583 : i32
      %convert_element_type3A_585 = arith.extui %lt3A_584 : i1 to i32
      %cond3A_586 = arith.constant 0 : i32
      %cond3A_587 = arith.cmpi ne, %convert_element_type3A_585, %cond3A_586 : i32
      scf.if %cond3A_587 {
        %add3A_588 = arith.constant 3 : i32
        %add3A_589 = arith.addi %add3A_478, %add3A_588 : i32
        %dma_start3A_590 = arith.constant 0 : i32
        %dma_start3A_591 = arith.constant 0 : i32
        %dma_start3A_592 = arith.constant 0 : i32
        %dma_start3A_593 = tpu.memref_slice %arg2[%dma_start3A_590, %arg1, %add3A_589, %dma_start3A_591, %dma_start3A_592] : memref<2x16x125x1x80xi32, #tpu.memory_space<hbm>> -> memref<1x1x1x1x80xi32, #tpu.memory_space<hbm>>
        %dma_start3A_594 = tpu.memref_squeeze %dma_start3A_593 : memref<1x1x1x1x80xi32, #tpu.memory_space<hbm>> -> memref<1x80xi32, #tpu.memory_space<hbm>>
        %dma_start3A_595 = arith.constant 0 : i32
        %dma_start3A_596 = arith.constant 0 : i32
        %dma_start3A_597 = tpu.memref_slice %arg2[%dma_start3A_590, %arg1, %add3A_589, %dma_start3A_595, %dma_start3A_596] : memref<2x16x125x1x80xi32, #tpu.memory_space<hbm>> -> memref<1x1x1x1x80xi32, #tpu.memory_space<hbm>>
        %dma_start3A_598 = tpu.memref_squeeze %dma_start3A_597 : memref<1x1x1x1x80xi32, #tpu.memory_space<hbm>> -> memref<1x80xi32, #tpu.memory_space<hbm>>
        tpu.enqueue_dma source(%dma_start3A_598 : memref<1x80xi32, #tpu.memory_space<hbm>>) target(%arg9 : memref<1x80xi32, #tpu.memory_space<vmem>>) target_semaphore(%arg15 : memref<!tpu.dma_semaphore, #tpu.memory_space<semaphore_mem>>)
      } else {
      }
    }
    %scan3A_203 = arith.constant 41 : i32
    %dma_wait3A_204 = arith.constant 122 : i32
    %dma_wait3A_205 = arith.constant 0 : i32
    %dma_wait3A_206 = arith.constant 0 : i32
    %dma_wait3A_207 = tpu.memref_slice %arg6[%dma_wait3A_204, %dma_wait3A_205, %dma_wait3A_206] : memref<125x1x80xi32, #tpu.memory_space<vmem>> -> memref<1x1x80xi32, #tpu.memory_space<vmem>>
    %dma_wait3A_208 = tpu.memref_squeeze %dma_wait3A_207 : memref<1x1x80xi32, #tpu.memory_space<vmem>> -> memref<80xi32, #tpu.memory_space<vmem>>
    %dma_wait3A_209 = arith.constant 0 : i32
    %dma_wait3A_210 = arith.constant 0 : i32
    %dma_wait3A_211 = tpu.memref_slice %arg5[%dma_wait3A_209, %dma_wait3A_210] : memref<10240x128xf32, #tpu.memory_space<vmem_shared>> -> memref<10240x128xf32, #tpu.memory_space<vmem_shared>>
    tpu.wait_indirect_dma semaphore(%arg21 : memref<!tpu.dma_semaphore, #tpu.memory_space<semaphore_mem>>) src(%arg12 : memref<80x128xf32, #tpu.memory_space<vmem>>) dst(%dma_wait3A_211 : memref<10240x128xf32, #tpu.memory_space<vmem_shared>>)
    %dma_wait3A_212 = arith.constant 0 : i32
    %dma_wait3A_213 = arith.constant 0 : i32
    %dma_wait3A_214 = tpu.memref_slice %arg7[%dma_wait3A_212, %dma_wait3A_213] : memref<1x80xi32, #tpu.memory_space<vmem>> -> memref<1x80xi32, #tpu.memory_space<vmem>>
    %dma_wait3A_215 = tpu.memref_squeeze %dma_wait3A_214 : memref<1x80xi32, #tpu.memory_space<vmem>> -> memref<80xi32, #tpu.memory_space<vmem>>
    %dma_wait3A_216 = arith.constant 0 : i32
    %dma_wait3A_217 = arith.constant 0 : i32
    %dma_wait3A_218 = tpu.memref_slice %arg3[%dma_wait3A_216, %dma_wait3A_217] : memref<20000x128xf32, #tpu.memory_space<hbm>> -> memref<20000x128xf32, #tpu.memory_space<hbm>>
    tpu.wait_indirect_dma semaphore(%arg16 : memref<!tpu.dma_semaphore, #tpu.memory_space<semaphore_mem>>) src(%dma_wait3A_218 : memref<20000x128xf32, #tpu.memory_space<hbm>>) dst(%arg10 : memref<80x128xf32, #tpu.memory_space<vmem>>)
    %dma_start3A_219 = arith.constant 123 : i32
    %dma_start3A_220 = arith.constant 0 : i32
    %dma_start3A_221 = arith.constant 0 : i32
    %dma_start3A_222 = tpu.memref_slice %arg6[%dma_start3A_219, %dma_start3A_220, %dma_start3A_221] : memref<125x1x80xi32, #tpu.memory_space<vmem>> -> memref<1x1x80xi32, #tpu.memory_space<vmem>>
    %dma_start3A_223 = tpu.memref_squeeze %dma_start3A_222 : memref<1x1x80xi32, #tpu.memory_space<vmem>> -> memref<80xi32, #tpu.memory_space<vmem>>
    %dma_start3A_224 = arith.constant 0 : i32
    %dma_start3A_225 = arith.constant 0 : i32
    %dma_start3A_226 = tpu.memref_slice %arg5[%dma_start3A_224, %dma_start3A_225] : memref<10240x128xf32, #tpu.memory_space<vmem_shared>> -> memref<10240x128xf32, #tpu.memory_space<vmem_shared>>
    tpu.enqueue_indirect_dma source(%arg10 : memref<80x128xf32, #tpu.memory_space<vmem>>) target(%dma_start3A_226 : memref<10240x128xf32, #tpu.memory_space<vmem_shared>>) offsets(%dma_start3A_223 : memref<80xi32, #tpu.memory_space<vmem>>) semaphore(%arg19 : memref<!tpu.dma_semaphore, #tpu.memory_space<semaphore_mem>>) {add = true}
    %dma_wait3A_227 = arith.constant 0 : i32
    %dma_wait3A_228 = arith.constant 0 : i32
    %dma_wait3A_229 = tpu.memref_slice %arg8[%dma_wait3A_227, %dma_wait3A_228] : memref<1x80xi32, #tpu.memory_space<vmem>> -> memref<1x80xi32, #tpu.memory_space<vmem>>
    %dma_wait3A_230 = tpu.memref_squeeze %dma_wait3A_229 : memref<1x80xi32, #tpu.memory_space<vmem>> -> memref<80xi32, #tpu.memory_space<vmem>>
    %dma_wait3A_231 = arith.constant 0 : i32
    %dma_wait3A_232 = arith.constant 0 : i32
    %dma_wait3A_233 = tpu.memref_slice %arg3[%dma_wait3A_231, %dma_wait3A_232] : memref<20000x128xf32, #tpu.memory_space<hbm>> -> memref<20000x128xf32, #tpu.memory_space<hbm>>
    tpu.wait_indirect_dma semaphore(%arg17 : memref<!tpu.dma_semaphore, #tpu.memory_space<semaphore_mem>>) src(%dma_wait3A_233 : memref<20000x128xf32, #tpu.memory_space<hbm>>) dst(%arg11 : memref<80x128xf32, #tpu.memory_space<vmem>>)
    %dma_wait3A_234 = arith.constant 123 : i32
    %dma_wait3A_235 = arith.constant 0 : i32
    %dma_wait3A_236 = arith.constant 0 : i32
    %dma_wait3A_237 = tpu.memref_slice %arg6[%dma_wait3A_234, %dma_wait3A_235, %dma_wait3A_236] : memref<125x1x80xi32, #tpu.memory_space<vmem>> -> memref<1x1x80xi32, #tpu.memory_space<vmem>>
    %dma_wait3A_238 = tpu.memref_squeeze %dma_wait3A_237 : memref<1x1x80xi32, #tpu.memory_space<vmem>> -> memref<80xi32, #tpu.memory_space<vmem>>
    %dma_wait3A_239 = arith.constant 0 : i32
    %dma_wait3A_240 = arith.constant 0 : i32
    %dma_wait3A_241 = tpu.memref_slice %arg5[%dma_wait3A_239, %dma_wait3A_240] : memref<10240x128xf32, #tpu.memory_space<vmem_shared>> -> memref<10240x128xf32, #tpu.memory_space<vmem_shared>>
    tpu.wait_indirect_dma semaphore(%arg19 : memref<!tpu.dma_semaphore, #tpu.memory_space<semaphore_mem>>) src(%arg10 : memref<80x128xf32, #tpu.memory_space<vmem>>) dst(%dma_wait3A_241 : memref<10240x128xf32, #tpu.memory_space<vmem_shared>>)
    %run_scoped3A_242 = arith.constant 124 : i32
    %run_scoped3A_243 = arith.constant 0 : i32
    "tpu.region"() ({
      %run_scoped3A_252 = tpu.sem_alloc : memref<!tpu.dma_semaphore, #tpu.memory_space<semaphore_mem>>
      %dma_start3A_253 = arith.constant 0 : i32
      %dma_start3A_254 = tpu.memref_slice %arg6[%run_scoped3A_242, %run_scoped3A_243, %dma_start3A_253] : memref<125x1x80xi32, #tpu.memory_space<vmem>> -> memref<1x1x80xi32, #tpu.memory_space<vmem>>
      %dma_start3A_255 = tpu.memref_squeeze %dma_start3A_254 : memref<1x1x80xi32, #tpu.memory_space<vmem>> -> memref<80xi32, #tpu.memory_space<vmem>>
      %dma_start3A_256 = arith.constant 0 : i32
      %dma_start3A_257 = arith.constant 0 : i32
      %dma_start3A_258 = tpu.memref_slice %arg5[%dma_start3A_256, %dma_start3A_257] : memref<10240x128xf32, #tpu.memory_space<vmem_shared>> -> memref<10240x128xf32, #tpu.memory_space<vmem_shared>>
      tpu.enqueue_indirect_dma source(%arg11 : memref<80x128xf32, #tpu.memory_space<vmem>>) target(%dma_start3A_258 : memref<10240x128xf32, #tpu.memory_space<vmem_shared>>) offsets(%dma_start3A_255 : memref<80xi32, #tpu.memory_space<vmem>>) semaphore(%run_scoped3A_252 : memref<!tpu.dma_semaphore, #tpu.memory_space<semaphore_mem>>) {add = true}
      %dma_wait3A_259 = arith.constant 0 : i32
      %dma_wait3A_260 = tpu.memref_slice %arg6[%run_scoped3A_242, %run_scoped3A_243, %dma_wait3A_259] : memref<125x1x80xi32, #tpu.memory_space<vmem>> -> memref<1x1x80xi32, #tpu.memory_space<vmem>>
      %dma_wait3A_261 = tpu.memref_squeeze %dma_wait3A_260 : memref<1x1x80xi32, #tpu.memory_space<vmem>> -> memref<80xi32, #tpu.memory_space<vmem>>
      %dma_wait3A_262 = arith.constant 0 : i32
      %dma_wait3A_263 = arith.constant 0 : i32
      %dma_wait3A_264 = tpu.memref_slice %arg5[%dma_wait3A_262, %dma_wait3A_263] : memref<10240x128xf32, #tpu.memory_space<vmem_shared>> -> memref<10240x128xf32, #tpu.memory_space<vmem_shared>>
      tpu.wait_indirect_dma semaphore(%run_scoped3A_252 : memref<!tpu.dma_semaphore, #tpu.memory_space<semaphore_mem>>) src(%arg11 : memref<80x128xf32, #tpu.memory_space<vmem>>) dst(%dma_wait3A_264 : memref<10240x128xf32, #tpu.memory_space<vmem_shared>>)
      tpu.yield
    }) : () -> ()
    %barrier3A_244 = arith.constant 0 : index
    tpu.barrier barrier_id(%barrier3A_244)
    %mul3A_245 = arith.constant 624 : i32
    %mul3A_246 = arith.muli %arg1, %mul3A_245 : i32
    %mul3A_247 = arith.constant 10000 : i32
    %mul3A_248 = arith.muli %arg0, %mul3A_247 : i32
    %add3A_249 = arith.addi %mul3A_248, %mul3A_246 : i32
    "tpu.region"() ({
      %run_scoped3A_252 = tpu.sem_alloc : memref<!tpu.dma_semaphore, #tpu.memory_space<semaphore_mem>>
      %dma_start3A_253 = arith.constant 0 : i32
      %dma_start3A_254 = tpu.memref_slice %arg4[%add3A_249, %dma_start3A_253] : memref<20000x128xf32, #tpu.memory_space<hbm>> -> memref<624x128xf32, #tpu.memory_space<hbm>>
      %dma_start3A_255 = arith.constant 0 : i32
      %dma_start3A_256 = tpu.memref_slice %arg5[%mul3A_246, %dma_start3A_255] : memref<10240x128xf32, #tpu.memory_space<vmem_shared>> -> memref<624x128xf32, #tpu.memory_space<vmem_shared>>
      tpu.enqueue_dma source(%dma_start3A_256 : memref<624x128xf32, #tpu.memory_space<vmem_shared>>) target(%dma_start3A_254 : memref<624x128xf32, #tpu.memory_space<hbm>>) target_semaphore(%run_scoped3A_252 : memref<!tpu.dma_semaphore, #tpu.memory_space<semaphore_mem>>)
      %dma_wait3A_257 = arith.constant 0 : i32
      %dma_wait3A_258 = tpu.memref_slice %arg4[%add3A_249, %dma_wait3A_257] : memref<20000x128xf32, #tpu.memory_space<hbm>> -> memref<624x128xf32, #tpu.memory_space<hbm>>
      %dma_wait3A_259 = arith.constant 0 : i32
      %dma_wait3A_260 = tpu.memref_slice %arg5[%mul3A_246, %dma_wait3A_259] : memref<10240x128xf32, #tpu.memory_space<vmem_shared>> -> memref<624x128xf32, #tpu.memory_space<vmem_shared>>
      tpu.wait_dma2 semaphore(%run_scoped3A_252 : memref<!tpu.dma_semaphore, #tpu.memory_space<semaphore_mem>>) src(%dma_wait3A_260 : memref<624x128xf32, #tpu.memory_space<vmem_shared>>) dst(%dma_wait3A_258 : memref<624x128xf32, #tpu.memory_space<hbm>>)
      tpu.yield
    }) : () -> ()
    %eq3A = arith.constant 15 : i32
    %eq3A_250 = arith.cmpi eq, %arg1, %eq3A : i32
    %convert_element_type3A = arith.extui %eq3A_250 : i1 to i32
    %cond3A = arith.constant 0 : i32
    %cond3A_251 = arith.cmpi ne, %convert_element_type3A, %cond3A : i32
    scf.if %cond3A_251 {
      %mul3A_252 = arith.constant 10000 : i32
      %mul3A_253 = arith.muli %arg0, %mul3A_252 : i32
      %add3A_254 = arith.constant 9984 : i32
      %add3A_255 = arith.addi %mul3A_253, %add3A_254 : i32
      "tpu.region"() ({
        %run_scoped3A_256 = tpu.sem_alloc : memref<!tpu.dma_semaphore, #tpu.memory_space<semaphore_mem>>
        %dma_start3A_257 = arith.constant 0 : i32
        %dma_start3A_258 = tpu.memref_slice %arg4[%add3A_255, %dma_start3A_257] : memref<20000x128xf32, #tpu.memory_space<hbm>> -> memref<16x128xf32, #tpu.memory_space<hbm>>
        %dma_start3A_259 = arith.constant 9984 : i32
        %dma_start3A_260 = arith.constant 0 : i32
        %dma_start3A_261 = tpu.memref_slice %arg5[%dma_start3A_259, %dma_start3A_260] : memref<10240x128xf32, #tpu.memory_space<vmem_shared>> -> memref<16x128xf32, #tpu.memory_space<vmem_shared>>
        tpu.enqueue_dma source(%dma_start3A_261 : memref<16x128xf32, #tpu.memory_space<vmem_shared>>) target(%dma_start3A_258 : memref<16x128xf32, #tpu.memory_space<hbm>>) target_semaphore(%run_scoped3A_256 : memref<!tpu.dma_semaphore, #tpu.memory_space<semaphore_mem>>)
        %dma_wait3A_262 = arith.constant 0 : i32
        %dma_wait3A_263 = tpu.memref_slice %arg4[%add3A_255, %dma_wait3A_262] : memref<20000x128xf32, #tpu.memory_space<hbm>> -> memref<16x128xf32, #tpu.memory_space<hbm>>
        %dma_wait3A_264 = arith.constant 9984 : i32
        %dma_wait3A_265 = arith.constant 0 : i32
        %dma_wait3A_266 = tpu.memref_slice %arg5[%dma_wait3A_264, %dma_wait3A_265] : memref<10240x128xf32, #tpu.memory_space<vmem_shared>> -> memref<16x128xf32, #tpu.memory_space<vmem_shared>>
        tpu.wait_dma2 semaphore(%run_scoped3A_256 : memref<!tpu.dma_semaphore, #tpu.memory_space<semaphore_mem>>) src(%dma_wait3A_266 : memref<16x128xf32, #tpu.memory_space<vmem_shared>>) dst(%dma_wait3A_263 : memref<16x128xf32, #tpu.memory_space<hbm>>)
        tpu.yield
      }) : () -> ()
    } else {
    }
    return
  }
}

module attributes {stable_mosaic.version = 14 : i64} {
  func.func @_skip_body(%arg0: i32, %arg1: memref<1000x256xf32, #tpu.memory_space<vmem>>, %arg2: memref<256x256xf32, #tpu.memory_space<vmem>>, %arg3: memref<1000x256xf32, #tpu.memory_space<vmem>>) attributes {dimension_semantics = [#tpu.dimension_semantics<arbitrary>], iteration_bounds = array<i64: 10>, scalar_prefetch = 0 : i64, scratch_operands = 0 : i64, tpu.core_type = #tpu.core_type<tc>, window_params = [{transform_indices = @transform_0, window_bounds = array<i64: 1000, 256>}, {pipeline_mode = #tpu.pipeline_mode<synchronous>, transform_indices = @transform_1, window_bounds = array<i64: 256, 256>}, {transform_indices = @transform_2, window_bounds = array<i64: 1000, 256>}]} {
    %get3A = arith.constant 0 : index
    %get3A_0 = arith.constant 0 : index
    %get3A_1 = vector.load %arg1[%get3A, %get3A_0] : memref<1000x256xf32, #tpu.memory_space<vmem>>, vector<1000x256xf32>
    %get3A_2 = arith.constant 0 : index
    %get3A_3 = arith.constant 0 : index
    %get3A_4 = vector.load %arg2[%get3A_2, %get3A_3] : memref<256x256xf32, #tpu.memory_space<vmem>>, vector<256x256xf32>
    %dot_general3A = arith.constant dense<0.000000e+00> : vector<1000x256xf32>
    %dot_general3A_5 = tpu.matmul %get3A_1, %get3A_4, %dot_general3A {dimension_numbers = #tpu.dot_dimension_numbers<[1], [0], [0], [1], [0, 0, 1, 1], [], []>, transpose_lhs_hint = false} : vector<1000x256xf32>, vector<256x256xf32>, vector<1000x256xf32> -> vector<1000x256xf32>
    %swap3A = arith.constant 0 : index
    %swap3A_6 = arith.constant 0 : index
    %swap3A_7 = vector.load %arg3[%swap3A, %swap3A_6] : memref<1000x256xf32, #tpu.memory_space<vmem>>, vector<1000x256xf32>
    tpu.vector_store %arg3[%swap3A, %swap3A_6], %dot_general3A_5 {strides = array<i32>} : memref<1000x256xf32, #tpu.memory_space<vmem>>, vector<1000x256xf32>,
    return
  }
  func.func @transform_0(%arg0: i32) -> (i32, i32) {
    %c0_i32 = arith.constant 0 : i32
    %c0_i32_0 = arith.constant 0 : i32
    return %arg0, %c0_i32 : i32, i32
  }
  func.func @transform_1(%arg0: i32) -> (i32, i32) {
    %c0_i32 = arith.constant 0 : i32
    %c0_i32_0 = arith.constant 0 : i32
    %c0_i32_1 = arith.constant 0 : i32
    return %c0_i32, %c0_i32_0 : i32, i32
  }
  func.func @transform_2(%arg0: i32) -> (i32, i32) {
    %c0_i32 = arith.constant 0 : i32
    %c0_i32_0 = arith.constant 0 : i32
    return %arg0, %c0_i32 : i32, i32
  }
}

module attributes {stable_mosaic.version = 14 : i64} {
  func.func @_h_body(%arg0: i32, %arg1: memref<1000x256xf32, #tpu.memory_space<vmem>>, %arg2: memref<256x256xf32, #tpu.memory_space<vmem>>, %arg3: memref<2x1000x128xf32, #tpu.memory_space<vmem>>) attributes {dimension_semantics = [#tpu.dimension_semantics<arbitrary>], iteration_bounds = array<i64: 10>, scalar_prefetch = 0 : i64, scratch_operands = 0 : i64, tpu.core_type = #tpu.core_type<tc>, window_params = [{transform_indices = @transform_0, window_bounds = array<i64: 1000, 256>}, {pipeline_mode = #tpu.pipeline_mode<synchronous>, transform_indices = @transform_1, window_bounds = array<i64: 256, 256>}, {transform_indices = @transform_2, window_bounds = array<i64: 2, 1000, 128>}]} {
    %get3A = arith.constant 0 : index
    %get3A_0 = arith.constant 0 : index
    %get3A_1 = vector.load %arg1[%get3A, %get3A_0] : memref<1000x256xf32, #tpu.memory_space<vmem>>, vector<1000x256xf32>
    %get3A_2 = arith.constant 0 : index
    %get3A_3 = arith.constant 0 : index
    %get3A_4 = vector.load %arg2[%get3A_2, %get3A_3] : memref<256x256xf32, #tpu.memory_space<vmem>>, vector<256x256xf32>
    %dot_general3A = arith.constant dense<0.000000e+00> : vector<1000x256xf32>
    %dot_general3A_5 = tpu.matmul %get3A_1, %get3A_4, %dot_general3A {dimension_numbers = #tpu.dot_dimension_numbers<[1], [0], [0], [1], [0, 0, 1, 1], [], []>, transpose_lhs_hint = false} : vector<1000x256xf32>, vector<256x256xf32>, vector<1000x256xf32> -> vector<1000x256xf32>
    %slice3A = vector.extract_strided_slice %dot_general3A_5 {offsets = [0, 0], sizes = [1000, 128], strides = [1, 1]} : vector<1000x256xf32> to vector<1000x128xf32>
    %swap3A = arith.constant 0 : index
    %swap3A_6 = arith.constant 0 : index
    %swap3A_7 = arith.constant 0 : index
    %swap3A_8 = vector.load %arg3[%swap3A, %swap3A_6, %swap3A_7] : memref<2x1000x128xf32, #tpu.memory_space<vmem>>, vector<1x1000x128xf32>
    %swap3A_9 = vector.shape_cast %swap3A_8 : vector<1x1000x128xf32> to vector<1000x128xf32>
    %swap3A_10 = vector.shape_cast %slice3A : vector<1000x128xf32> to vector<1x1000x128xf32>
    tpu.vector_store %arg3[%swap3A, %swap3A_6, %swap3A_7], %swap3A_10 {strides = array<i32>} : memref<2x1000x128xf32, #tpu.memory_space<vmem>>, vector<1x1000x128xf32>,
    %slice3A_11 = vector.extract_strided_slice %dot_general3A_5 {offsets = [0, 128], sizes = [1000, 128], strides = [1, 1]} : vector<1000x256xf32> to vector<1000x128xf32>
    %swap3A_12 = arith.constant 1 : index
    %swap3A_13 = arith.constant 0 : index
    %swap3A_14 = arith.constant 0 : index
    %swap3A_15 = vector.load %arg3[%swap3A_12, %swap3A_13, %swap3A_14] : memref<2x1000x128xf32, #tpu.memory_space<vmem>>, vector<1x1000x128xf32>
    %swap3A_16 = vector.shape_cast %swap3A_15 : vector<1x1000x128xf32> to vector<1000x128xf32>
    %swap3A_17 = vector.shape_cast %slice3A_11 : vector<1000x128xf32> to vector<1x1000x128xf32>
    tpu.vector_store %arg3[%swap3A_12, %swap3A_13, %swap3A_14], %swap3A_17 {strides = array<i32>} : memref<2x1000x128xf32, #tpu.memory_space<vmem>>, vector<1x1000x128xf32>,
    return
  }
  func.func @transform_0(%arg0: i32) -> (i32, i32) {
    %c0_i32 = arith.constant 0 : i32
    %c0_i32_0 = arith.constant 0 : i32
    return %arg0, %c0_i32 : i32, i32
  }
  func.func @transform_1(%arg0: i32) -> (i32, i32) {
    %c0_i32 = arith.constant 0 : i32
    %c0_i32_0 = arith.constant 0 : i32
    %c0_i32_1 = arith.constant 0 : i32
    return %c0_i32, %c0_i32_0 : i32, i32
  }
  func.func @transform_2(%arg0: i32) -> (i32, i32, i32) {
    %c0_i32 = arith.constant 0 : i32
    %c0_i32_0 = arith.constant 0 : i32
    %c0_i32_1 = arith.constant 0 : i32
    return %c0_i32, %arg0, %c0_i32_0 : i32, i32, i32
  }
}

module attributes {stable_mosaic.version = 14 : i64} {
  func.func @_out_body(%arg0: i32, %arg1: memref<2x1000x128xf32, #tpu.memory_space<vmem>>, %arg2: memref<1000x256xf32, #tpu.memory_space<vmem>>, %arg3: memref<1x256xf32, #tpu.memory_space<vmem>>, %arg4: memref<256x16xf32, #tpu.memory_space<vmem>>, %arg5: memref<1x16xf32, #tpu.memory_space<vmem>>, %arg6: memref<1000x16xf32, #tpu.memory_space<vmem>>) attributes {dimension_semantics = [#tpu.dimension_semantics<arbitrary>], iteration_bounds = array<i64: 10>, scalar_prefetch = 0 : i64, scratch_operands = 0 : i64, tpu.core_type = #tpu.core_type<tc>, window_params = [{transform_indices = @transform_0, window_bounds = array<i64: 2, 1000, 128>}, {transform_indices = @transform_1, window_bounds = array<i64: 1000, 256>}, {pipeline_mode = #tpu.pipeline_mode<synchronous>, transform_indices = @transform_2, window_bounds = array<i64: 1, 256>}, {pipeline_mode = #tpu.pipeline_mode<synchronous>, transform_indices = @transform_3, window_bounds = array<i64: 256, 16>}, {pipeline_mode = #tpu.pipeline_mode<synchronous>, transform_indices = @transform_4, window_bounds = array<i64: 1, 16>}, {transform_indices = @transform_5, window_bounds = array<i64: 1000, 16>}]} {
    %get3A = arith.constant 0 : index
    %get3A_0 = arith.constant 0 : index
    %get3A_1 = arith.constant 0 : index
    %get3A_2 = vector.load %arg1[%get3A, %get3A_0, %get3A_1] : memref<2x1000x128xf32, #tpu.memory_space<vmem>>, vector<1x1000x128xf32>
    %get3A_3 = vector.shape_cast %get3A_2 : vector<1x1000x128xf32> to vector<1000x128xf32>
    %get3A_4 = arith.constant 1 : index
    %get3A_5 = arith.constant 0 : index
    %get3A_6 = arith.constant 0 : index
    %get3A_7 = vector.load %arg1[%get3A_4, %get3A_5, %get3A_6] : memref<2x1000x128xf32, #tpu.memory_space<vmem>>, vector<1x1000x128xf32>
    %get3A_8 = vector.shape_cast %get3A_7 : vector<1x1000x128xf32> to vector<1000x128xf32>
    %concatenate3A = tpu.concatenate %get3A_3, %get3A_8 in 1 : vector<1000x128xf32>, vector<1000x128xf32> -> vector<1000x256xf32>
    %get3A_9 = arith.constant 0 : index
    %get3A_10 = arith.constant 0 : index
    %get3A_11 = vector.load %arg2[%get3A_9, %get3A_10] : memref<1000x256xf32, #tpu.memory_space<vmem>>, vector<1000x256xf32>
    %add3A = arith.addf %concatenate3A, %get3A_11 : vector<1000x256xf32>
    %get3A_12 = arith.constant 0 : index
    %get3A_13 = arith.constant 0 : index
    %get3A_14 = vector.load %arg3[%get3A_12, %get3A_13] : memref<1x256xf32, #tpu.memory_space<vmem>>, vector<1x256xf32>
    %add3A_15 = vector.broadcast %get3A_14 : vector<1x256xf32> to vector<1000x256xf32>
    %add3A_16 = arith.addf %add3A, %add3A_15 : vector<1000x256xf32>
    %gt3A = arith.constant 0.000000e+00 : f32
    %gt3A_17 = vector.broadcast %gt3A : f32 to vector<1000x256xf32>
    %gt3A_18 = arith.cmpf ogt, %add3A_16, %gt3A_17 : vector<1000x256xf32>
    %min3A = arith.constant 0.000000e+00 : f32
    %min3A_19 = vector.broadcast %min3A : f32 to vector<1000x256xf32>
    %min3A_20 = arith.minimumf %add3A_16, %min3A_19 : vector<1000x256xf32>
    %exp3A = math.exp %min3A_20 : vector<1000x256xf32>
    %sub3A = arith.constant 1.000000e+00 : f32
    %sub3A_21 = vector.broadcast %sub3A : f32 to vector<1000x256xf32>
    %sub3A_22 = arith.subf %exp3A, %sub3A_21 : vector<1000x256xf32>
    %select_n3A = arith.select %gt3A_18, %add3A_16, %sub3A_22 : vector<1000x256xi1>, vector<1000x256xf32>
    %get3A_23 = arith.constant 0 : index
    %get3A_24 = arith.constant 0 : index
    %get3A_25 = vector.load %arg4[%get3A_23, %get3A_24] : memref<256x16xf32, #tpu.memory_space<vmem>>, vector<256x16xf32>
    %dot_general3A = arith.constant dense<0.000000e+00> : vector<1000x16xf32>
    %dot_general3A_26 = tpu.matmul %select_n3A, %get3A_25, %dot_general3A {dimension_numbers = #tpu.dot_dimension_numbers<[1], [0], [0], [1], [0, 0, 1, 1], [], []>, transpose_lhs_hint = false} : vector<1000x256xf32>, vector<256x16xf32>, vector<1000x16xf32> -> vector<1000x16xf32>
    %get3A_27 = arith.constant 0 : index
    %get3A_28 = arith.constant 0 : index
    %get3A_29 = vector.load %arg5[%get3A_27, %get3A_28] : memref<1x16xf32, #tpu.memory_space<vmem>>, vector<1x16xf32>
    %add3A_30 = vector.broadcast %get3A_29 : vector<1x16xf32> to vector<1000x16xf32>
    %add3A_31 = arith.addf %dot_general3A_26, %add3A_30 : vector<1000x16xf32>
    %reduce_max3A = arith.constant dense<0xFF800000> : vector<1000xf32>
    %reduce_max3A_32 = vector.multi_reduction <maximumf>, %add3A_31, %reduce_max3A [1] : vector<1000x16xf32> to vector<1000xf32>
    %broadcast_in_dim3A = vector.shape_cast %reduce_max3A_32 : vector<1000xf32> to vector<1000x1xf32>
    %sub3A_33 = vector.broadcast %broadcast_in_dim3A : vector<1000x1xf32> to vector<1000x16xf32>
    %sub3A_34 = arith.subf %add3A_31, %sub3A_33 : vector<1000x16xf32>
    %exp3A_35 = math.exp %sub3A_34 : vector<1000x16xf32>
    %reduce_sum3A = arith.constant dense<0.000000e+00> : vector<1000xf32>
    %reduce_sum3A_36 = vector.multi_reduction <add>, %exp3A_35, %reduce_sum3A [1] : vector<1000x16xf32> to vector<1000xf32>
    %broadcast_in_dim3A_37 = vector.shape_cast %reduce_sum3A_36 : vector<1000xf32> to vector<1000x1xf32>
    %div3A = vector.broadcast %broadcast_in_dim3A_37 : vector<1000x1xf32> to vector<1000x16xf32>
    %div3A_38 = arith.divf %exp3A_35, %div3A : vector<1000x16xf32>
    %swap3A = arith.constant 0 : index
    %swap3A_39 = arith.constant 0 : index
    %swap3A_40 = vector.load %arg6[%swap3A, %swap3A_39] : memref<1000x16xf32, #tpu.memory_space<vmem>>, vector<1000x16xf32>
    tpu.vector_store %arg6[%swap3A, %swap3A_39], %div3A_38 {strides = array<i32>} : memref<1000x16xf32, #tpu.memory_space<vmem>>, vector<1000x16xf32>,
    return
  }
  func.func @transform_0(%arg0: i32) -> (i32, i32, i32) {
    %c0_i32 = arith.constant 0 : i32
    %c0_i32_0 = arith.constant 0 : i32
    %c0_i32_1 = arith.constant 0 : i32
    return %c0_i32, %arg0, %c0_i32_0 : i32, i32, i32
  }
  func.func @transform_1(%arg0: i32) -> (i32, i32) {
    %c0_i32 = arith.constant 0 : i32
    %c0_i32_0 = arith.constant 0 : i32
    return %arg0, %c0_i32 : i32, i32
  }
  func.func @transform_2(%arg0: i32) -> (i32, i32) {
    %c0_i32 = arith.constant 0 : i32
    %c0_i32_0 = arith.constant 0 : i32
    %c0_i32_1 = arith.constant 0 : i32
    return %c0_i32, %c0_i32_0 : i32, i32
  }
  func.func @transform_3(%arg0: i32) -> (i32, i32) {
    %c0_i32 = arith.constant 0 : i32
    %c0_i32_0 = arith.constant 0 : i32
    %c0_i32_1 = arith.constant 0 : i32
    return %c0_i32, %c0_i32_0 : i32, i32
  }
  func.func @transform_4(%arg0: i32) -> (i32, i32) {
    %c0_i32 = arith.constant 0 : i32
    %c0_i32_0 = arith.constant 0 : i32
    %c0_i32_1 = arith.constant 0 : i32
    return %c0_i32, %c0_i32_0 : i32, i32
  }
  func.func @transform_5(%arg0: i32) -> (i32, i32) {
    %c0_i32 = arith.constant 0 : i32
    %c0_i32_0 = arith.constant 0 : i32
    return %arg0, %c0_i32 : i32, i32
  }
}

</mosaic_0001>

<sc_bundles>
// kernel: kernel.6.cloned.1.call-start
scs
__scs_entry_jumppad:
0x0: {  	(pc) =	sbr.rel $0x88, $3  }
0x1: {  	(tag) =	ssettag $0x0;
	lr =	simm.s32 $0x1  }
0x2: {  	[smem:$0x3F9A] =	sst lr;
	_ =	strace $0xD0000000  }
0x3: {  	_ = 	snop  }
0x4: {  	_ = 	snop  }
0x5: {  	_ = 	snop  }
0x6: {  	_ = 	snop  }
0x7: {  	_ = 	snop  }
__scs_overlays_trampoline_lowered:
0x8: {  	[smem:$0x3FA9] =	sst s0  }
0x9: {  	[smem:$0x3FAA] =	sst s1  }
0xa: {  	[smem:$0x3FAB] =	sst s2  }
0xb: {  	[smem:$0x3FAC] =	sst s3  }
0xc: {  	[smem:$0x3FAD] =	sst s4  }
0xd: {  	[smem:$0x3FAE] =	sst s5  }
0xe: {  	[smem:$0x3FAF] =	sst s6  }
0xf: {  	[smem:$0x3FB0] =	sst s7  }
0x10: {  	[smem:$0x3FB1] =	sst s8  }
0x11: {  	[smem:$0x3FB2] =	sst s9;
	s0 =	simm.s32 @!p0 $0x0  }
0x12: {  	s1 =	sld [smem:$0x3F98];
	s0 =	simm.s32 @p0 $0x1  }
0x13: {  	[smem:$0x3FB3] =	sst s0;
	s0 =	simm.s32 @!p1 $0x0  }
0x14: {  	s2 =	sld [smem:$0x3F97];
	s0 =	simm.s32 @p1 $0x1  }
0x15: {  	[smem:$0x3FB4] =	sst s0;
	s0 =	simm.s32 @!p2 $0x0  }
0x16: {  	s3 =	sld [smem:$0x3FDB];
	s0 =	simm.s32 @p2 $0x1  }
0x17: {  	s4 =	simm.s32 $0x1BF5;
	[smem:$0x3FB6] =	sst s0  }
0x18: {  	s0 =	sld [smem:$0x3F99];
	_ =	swait.ge [sflag:s4], $0x0  }
0x19: {  	s7 =	sld [smem:$0x3F9A]  }
0x1a: {  	s8 =	sadd.s32 $0xFFFFE003, lr  }
0x1b: {  	s9 =	sadd.s32 $0xFFFFFEF7, lr;
	s5 =	simm.s32 $0xFFFFFFFF;
	p2 =	slt.u32 s8, $0xFFFFF086  }
0x1c: {  	p1 =	slt.u32 s9, $0xF7A;
	s5 =	simm.s32 @!p2 $0x0  }
0x1d: {  	s5 =	simm.s32 @p1 $0x1;
	p0 =	seq.s32 s7, s2  }
0x1e: {  	s7 =	smul.u32 @!p0 $0xF7A, s2;
	p2 =	seq.s32 @!p0 s5, $0x0  }
0x1f: {  	s9 =	smul.u32 $0xF7A, s1;
	s8 =	simm.s32 @!p0 $0x1BF5;
	p2 =	por !p2, p0  }
0x20: {  	[sflag:s8] =	ssyncset.s32 @!p0 $0xFFFFF086;
	s6 =	sadd.s32 @!p0 s3, s7;
	s7 =	simm.s32 @!p0 $0x108  }
0x21: {  	s3 =	sadd.s32 s3, s9;
	s6 =	sadd.s32 @!p0 $0x88, s6;
	s7 =	simm.s32 @p2 $0x1082  }
0x22: {  	[simem:s7], [sflag:s8] =	dma.local @!p0 [hbm:s6], $0xF7A  }
0x23: {  	s9 =	sor.u32 $0xD0000000, s2;
	s6 =	simm.s32 $0x108;
	_ =	swait.ge @!p0 [sflag:s8], $0x0  }
0x24: {  	s3 =	sadd.s32 $0x88, s3;
	s6 =	simm.s32 @!p1 $0x1082;
	[sflag:s4] =	ssyncset.s32 $0xFFFFF086  }
0x25: {  	[simem:s6], [sflag:s4] =	dma.local [hbm:s3], $0xF7A  }
0x26: {  	[smem:$0x3F9A] =	sst s1;
	(tag) =	ssettag s2;
	_ =	strace s9  }
0x27: {  	s1 =	sld [smem:$0x3FAA]  }
0x28: {  	s2 =	sld [smem:$0x3FAB]  }
0x29: {  	s4 =	sld [smem:$0x3FAD]  }
0x2a: {  	p0 =	seq.s32 s5, $0x0;
	s5 =	sld [smem:$0x3FAE]  }
0x2b: {  	s6 =	sld [smem:$0x3FAF]  }
0x2c: {  	s7 =	sld [smem:$0x3FB0]  }
0x2d: {  	s3 =	simm.s32 $0x108;
	s8 =	sld [smem:$0x3FB1]  }
0x2e: {  	s3 =	simm.s32 @!p0 $0x1082;
	s9 =	sld [smem:$0x3FB2]  }
0x2f: {  	lr =	sadd.s32 s0, s3;
	s0 =	sld [smem:$0x3FA9]  }
0x30: {  	s3 =	sld [smem:$0x3FAC]  }
0x31: {  	[smem:$0x3FB5] =	sst s10  }
0x32: {  	s10 =	sld [smem:$0x3FB3];
	_ =	sdelay $0x3  }
0x33: {  	p0 =	seq.s32 s10, $0x1;
	s10 =	sld [smem:$0x3FB5];
	_ =	sdelay $0x3  }
0x34: {  	[smem:$0x3FB5] =	sst s10  }
0x35: {  	s10 =	sld [smem:$0x3FB4];
	_ =	sdelay $0x3  }
0x36: {  	p1 =	seq.s32 s10, $0x1;
	s10 =	sld [smem:$0x3FB5];
	_ =	sdelay $0x3  }
0x37: {  	[smem:$0x3FB5] =	sst s10  }
0x38: {  	s10 =	sld [smem:$0x3FB6]  }
0x39: {  	_ = 	snop;
	(pc) =	sbr.ind lr, $3  }
0x3a: {  	_ = 	snop  }
0x3b: {  	_ = 	snop  }
0x3c: {  	p2 =	seq.s32 s10, $0x1;
	s10 =	sld [smem:$0x3FB5]  }
0x3d: {  	_ =	shalt  }
0x3e: {  	_ =	shalt  }
0x3f: {  	_ =	shalt  }
0x40: {  	_ =	shalt  }
0x41: {  	_ =	shalt  }
0x42: {  	_ =	shalt  }
0x43: {  	_ =	shalt  }
0x44: {  	_ =	shalt  }
0x45: {  	_ =	shalt  }
0x46: {  	_ =	shalt  }
0x47: {  	_ =	shalt  }
0x48: {  	_ =	shalt  }
0x49: {  	_ =	shalt  }
0x4a: {  	_ =	shalt  }
0x4b: {  	_ =	shalt  }
0x4c: {  	_ =	shalt  }
0x4d: {  	_ =	shalt  }
0x4e: {  	_ =	shalt  }
0x4f: {  	_ =	shalt  }
0x50: {  	_ =	shalt  }
0x51: {  	_ =	shalt  }
0x52: {  	_ =	shalt  }
0x53: {  	_ =	shalt  }
0x54: {  	_ =	shalt  }
0x55: {  	_ =	shalt  }
0x56: {  	_ =	shalt  }
0x57: {  	_ =	shalt  }
0x58: {  	_ =	shalt  }
0x59: {  	_ =	shalt  }
0x5a: {  	_ =	shalt  }
0x5b: {  	_ =	shalt  }
0x5c: {  	_ =	shalt  }
0x5d: {  	_ =	shalt  }
0x5e: {  	_ =	shalt  }
0x5f: {  	_ =	shalt  }
0x60: {  	_ =	shalt  }
0x61: {  	_ =	shalt  }
0x62: {  	_ =	shalt  }
0x63: {  	_ =	shalt  }
0x64: {  	_ =	shalt  }
0x65: {  	_ =	shalt  }
0x66: {  	_ =	shalt  }
0x67: {  	_ =	shalt  }
0x68: {  	_ =	shalt  }
0x69: {  	_ =	shalt  }
0x6a: {  	_ =	shalt  }
0x6b: {  	_ =	shalt  }
0x6c: {  	_ =	shalt  }
0x6d: {  	_ =	shalt  }
0x6e: {  	_ =	shalt  }
0x6f: {  	_ =	shalt  }
0x70: {  	_ =	shalt  }
0x71: {  	_ =	shalt  }
0x72: {  	_ =	shalt  }
0x73: {  	_ =	shalt  }
0x74: {  	_ =	shalt  }
0x75: {  	_ =	shalt  }
0x76: {  	_ =	shalt  }
0x77: {  	_ =	shalt  }
0x78: {  	_ =	shalt  }
0x79: {  	_ =	shalt  }
0x7a: {  	_ =	shalt  }
0x7b: {  	_ =	shalt  }
0x7c: {  	_ =	shalt  }
0x7d: {  	_ =	shalt  }
0x7e: {  	_ =	shalt  }
0x7f: {  	_ =	shalt  }
0x80: {  	_ =	shalt  }
0x81: {  	_ =	shalt  }
0x82: {  	_ =	shalt  }
0x83: {  	_ =	shalt  }
0x84: {  	_ =	shalt  }
0x85: {  	_ =	shalt  }
0x86: {  	_ =	shalt  }
0x87: {  	_ =	shalt  }
.Lfunc_end0:
.L_simem_size_0:
called_computation_lowered:
.L_overlay_start_0:
0x88: {  	s2 =	sld [smem:$0x3FD9]  }
0x89: {  	s3 =	sld [smem:$0x3FFE];
	_ =	sdelay $0x1  }
0x8a: {  	s1 =	srdreg.scid  }
0x8b: {  	s0 =	sand.u32 $0x1, s1  }
0x8c: {  	s16 =	sshll.u32 s0, $0xA;
	s2 =	sadd.s32 s3, s2  }
0x8d: {  	s2 =	sadd.s32 s2, s16  }
0x8e: {  	[smem:$0x3FC1] =	sst s2  }
0x8f: {  	_ = 	snop  }
0x90: {  	(tm) =	ssettm $0x1  }
0x91: {  	s17 =	sld [smem:$0x3FFB];
	_ =	sdelay $0x3  }
0x92: {  	_ =	strace s17  }
0x93: {  	s2 =	sld [smem:$0x3FFC];
	_ =	sdelay $0x3  }
0x94: {  	_ =	strace s2  }
0x95: {  	s2 =	sld [smem:$0x3FFD];
	_ =	sdelay $0x3  }
0x96: {  	_ =	strace s2  }
0x97: {  	_ =	strace $0x8FFFFFFF  }
0x98: {  	s18 =	sld [smem:$0x3FDB];
	_ =	sdelay $0x1  }
0x99: {  	s19 =	simm.s32 $_scs_section_size  }
0x9a: {  	s4 =	simm.s32 $_size__tile_overlayer_lowered;
	s5 =	simm.s32 $_tile_overlayer_lowered  }
0x9b: {  	s22 =	simm.s32 $0x1BFF;
	s21 =	sshll.u32 s5, $0x1;
	s2 =	sadd.s32 s19, s18  }
0x9c: {  	s6 =	simm.s32 $0x0;
	s20 =	sshll.u32 s4, $0x1;
	s4 =	sadd.s32 s21, s2  }
0x9d: {  	[timem:s6], [sflag:s22] =	dma.local [hbm:s4], s20  }
0x9e: {  	_ =	swait.ge [sflag:s22], s20  }
0x9f: {  	s3 =	ssub.s32 $0x0, s20;
	[sflag:s22] =	ssyncset.done $0x0  }
0xa0: {  	[sflag:s22] =	ssyncadd.s32 s3;
	_ =	sdelay $0x1  }
0xa1: {  	s23 =	simm.s32 $0x1B8B  }
0xa2: {  	_ =	swait.ge [sflag:s23], $0x1  }
0xa3: {  	[sflag:s23] =	ssyncset.done $0x0  }
0xa4: {  	s25 =	simm.s32 $0x1B8E;
	s24 =	sld [smem:$0x3FFE];
	[sflag:s23] =	ssyncadd.s32 $0xFFFFFFFF  }
0xa5: {  	s26 =	simm.s32 $execute0_lowered;
	[smem:$0x3FD2] =	sst s25  }
0xa6: {  	s4 =	sshll.u32 s26, $0x1;
	_ =	strace $0x80000046;
	[dreg:$0x1] =	wrdreg $0xFFFFFFFF  }
0xa7: {  	s28 =	simm.s32 $_size_execute0_lowered;
	s2 =	sadd.s32 s2, s4;
	[dreg:$0x0] =	wrdreg $0x0  }
0xa8: {  	s4 =	sshll.u32 s28, $0x1;
	[dreg:$0x2] =	wrdreg s2  }
0xa9: {  	[dreg:$0x3] =	wrdreg s4  }
0xaa: {  	[dreg:$0x4] =	wrdreg $0xC0  }
0xab: {  	_ =	task [dreg:s6], $0x5FFFF  }
0xac: {  	[dreg:$0x1] =	wrdreg $0xFFFFFFFF  }
0xad: {  	[dreg:$0x0] =	wrdreg $0x60  }
0xae: {  	[dreg:$0x2] =	wrdreg s24  }
0xaf: {  	[dreg:$0x3] =	wrdreg $0x0  }
0xb0: {  	[dreg:$0x4] =	wrdreg $0x9  }
0xb1: {  	_ =	task.clear_ibuf [dreg:s6], $0x5FFFF;
	_ =	strace $0x90000046  }
0xb2: {  	s29 =	simm.s32 $0x9;
	_ =	strace $0x80000048  }
0xb3: {  	_ =	swait.ge [sflag:s29], $0x1  }
0xb4: {  	[sflag:s29] =	ssyncadd.s32 $0xFFFFFFFF  }
0xb5: {  	_ =	strace $0x90000048  }
0xb6: {  	_ =	sfence  }
0xb7: {  	s30 =	sld [smem:$0x0];
	_ =	sdelay $0x2  }
0xb8: {  	s31 =	sshll.u32 s1, $0xD;
	s1 =	sshrl.u32 s1, $0x2  }
0xb9: {  	s3 =	sand.u32 $0x4000, s31;
	s1 =	sadd.s32 s1, s30  }
0xba: {  	s0 =	sor.u32 s3, s0;
	s1 =	sshll.u32 s1, $0x11  }
0xbb: {  	s0 =	sor.u32 s1, s0  }
0xbc: {  	s0 =	sadd.s32 $0x8F2B, s0  }
0xbd: {  	[sflag:s0] =	ssyncadd.remote.s32 $0x1  }
0xbe: {  	_ =	sfence.sel $0xFFFF  }
0xbf: {  	[dreg:$0x0] =	wrdreg $0xFFFFFFFF;
	(pc) =	sbr.abs _section_cstart, $3  }
0xc0: {  	[dreg:$0x1] =	wrdreg $0xFFFFFFFF  }
0xc1: {  	_ =	task.clear_ibuf [dreg:s6], $0x2FFFF;
	_ =	strace $0x9FFFFFFF  }
0xc2: {  	(tm) =	ssettm $0x7FFFFFFF  }
0xc3: {  	_ =	shalt  }
tec
execute0_lowered:
.L_overlay_start_1:
0x0: {  	(tag) =	ssettag $0x1  }
0x1: {  	s0 =	rddreg [dreg:$0x0]  }
0x2: {  	s1 =	rddreg [dreg:$0x1];
	s2 =	simm.s32 $0x0  }
0x3: {  	s5 =	srdreg.scid;
	s11 =	stileid.u32;
	s28 =	simm.s32 $0x17F00  }
0x4: {  	s29 =	simm.s32 $0x17F80;
	s30 =	simm.s32 $0x1;
	s13 =	smul.u32 $0x3E80, s11  }
0x5: {  	s31 =	simm.s32 $0x50;
	[smem:$0x7FF] =	sst s2;
	s9 =	smul.u32 $0x4E000, s11  }
0x6: {  	s3 =	sadd.s32 $0x2200, s0;
	s4 =	sadd.s32 $0x11C00, s0;
	s15 =	smul.u32 $0x270, s11  }
0x7: {  	s6 =	sand.u32 $0x1, s5;
	s0 =	sadd.s32 $0x5FE00, s0;
	s18 =	smul.u32 $0x50000, s11  }
0x8: {  	s20 =	smul.u32 $0x7D0, s11;
	p0 =	sne.s32 s11, $0xF;
	s11 =	simm.s32 $0x6  }
0x9: {  	_ =	strace $0x80000047;
	s7 =	ssub.s32 $0x2, s6;
	s14 =	smul.u32 $0x2710, s6  }
0xa: {  	s6 =	smul.u32 $0x138800, s6;
	s8 =	sshrl.u32 s7, $0x1;
	s5 =	sshrl.u32 s13, $0x3  }
0xb: {  	s9 =	sshrl.u32 s9, $0x2;
	s19 =	sshrl.u32 s18, $0x2;
	s5 =	sadd.s32 s3, s5  }
0xc: {  	s13 =	simm.s32 $0x9;
	s7 =	ssub.s32 s7, s8;
	s10 =	sadd.s32 $0x7D00, s5  }
0xd: {  	s8 =	sadd.s32 s15, s14;
	s16 =	sadd.s32 $0x10, s5;
	[dreg:$0x3] =	wrdreg s10  }
0xe: {  	s6 =	sshrl.u32 s6, $0x3;
	s17 =	sadd.s32 $0x20, s5;
	[dreg:$0x4] =	wrdreg s16  }
0xf: {  	s12 =	sadd.s32 s19, s1;
	s7 =	smax.u32 s7, $0x1;
	[dreg:$0x5] =	wrdreg s17  }
0x10: {  	s9 =	sadd.s32 s9, s1;
	s21 =	sadd.s32 $0x2800, s12;
	[dreg:$0x8] =	wrdreg s7  }
0x11: {  	v0 =	vmov s14;
	s14 =	simm.s32 $0x0;
	s22 =	sadd.s32 $0x5000, s12;
	[dreg:$0x9] =	wrdreg s21  }
0x12: {  	s8 =	sshll.u32 s8, $0x4;
	s23 =	sadd.s32 $0x7800, s12;
	[dreg:$0xa] =	wrdreg s22  }
0x13: {  	s24 =	sadd.s32 $0xA000, s12;
	s25 =	sadd.s32 $0xC800, s12;
	[dreg:$0xb] =	wrdreg s23  }
0x14: {  	s26 =	sadd.s32 $0xF000, s12;
	s19 =	sadd.s32 $0x11800, s12;
	[dreg:$0xc] =	wrdreg s24  }
0x15: {  	s8 =	sadd.s32 s0, s8;
	s0 =	sadd.s32 s0, s6;
	[dreg:$0xd] =	wrdreg s25  }
0x16: {  	s6 =	sadd.s32 $0x138000, s1;
	[dreg:$0xe] =	wrdreg s26;
	s22 =	simm.s32 $0xA  }
0x17: {  	s23 =	sshrl.u32 s9, $0x3;
	s25 =	simm.s32 $0x18000;
	s26 =	simm.s32 $0x17E80  }
.Ltmp0:
0x18: {  	s21 =	simm.s32 $0x1A800;
	s7 =	simm.s32 $0x4;
	(pc) =	sbr.rel .LBB2_1-.Ltmp0, $4  }
0x19: {  	s9 =	simm.s32 $0x5;
	s10 =	simm.s32 $0x8;
	[dreg:$0x6] =	wrdreg s8  }
0x1a: {  	s0 =	sadd.s32 $0x27000, s0;
	s24 =	sshrl.u32 @!p0 s6, $0x3;
	s6 =	simm.s32 $0x1D000  }
0x1b: {  	s8 =	simm.s32 $0x7;
	[dreg:$0x7] =	wrdreg s0;
	s0 =	sadd.s32 s20, s3  }
0x1c: {  	v1 =	vimm.f32 $0.0e+00;
	s3 =	simm.s32 $0x3;
	s16 =	sadd.s32 $0x50, s0;
	s0 =	simm.s32 $0x2  }
.LBB2_6:
0x1d: {  	_ =	swait.ge [sflag:s13], $0x2800  }
0x1e: {  	[sflag:s13] =	ssyncset.done $0x0  }
0x1f: {  	[sflag:s13] =	ssyncadd.s32 $0xFFFFD800  }
0x20: {  	_ =	swait.ge [sflag:s7], $0x2800  }
0x21: {  	[sflag:s7] =	ssyncset.done $0x0  }
0x22: {  	s15 =	simm.s32 $0x17D80;
	[sflag:s7] =	ssyncadd.s32 $0xFFFFD800  }
0x23: {  	[spmem:s1] =	stream.indirect.scatter.add.f32 [tilespmem:s25], [sflag:$0x7], $0x80, s15, s31, $0xb8;
	[tilespmem:$0x1F800] =	vst v63  }
0x24: {  	_ =	swait.ge [sflag:s9], $0x2800  }
0x25: {  	[sflag:s9] =	ssyncset.done $0x0  }
0x26: {  	[sflag:s9] =	ssyncadd.s32 $0xFFFFD800  }
0x27: {  	_ =	swait.ge [sflag:s8], $0x2800  }
0x28: {  	[sflag:s8] =	ssyncset.done $0x0  }
0x29: {  	s17 =	simm.s32 $0x17E00;
	[sflag:s8] =	ssyncadd.s32 $0xFFFFD800  }
0x2a: {  	[spmem:s1] =	stream.indirect.scatter.add.f32 [tilespmem:s21], [sflag:$0xA], $0x80, s17, s31, $0xb8;
	[tilespmem:$0x1F800] =	vst v63  }
0x2b: {  	_ =	swait.ge [sflag:s22], $0x2800  }
0x2c: {  	[sflag:s22] =	ssyncset.done $0x0  }
0x2d: {  	s18 =	stileid.u32;
	[sflag:s22] =	ssyncadd.s32 $0xFFFFD800  }
0x2e: {  	s15 =	sshll.u32 s18, $0x6;
	[bflag:$0x0] =	sbarrier.arrive $0xFFFF  }
0x2f: {  	s15 =	sor.u32 $0x1C0A, s15;
	s17 =	rddreg [dreg:$0x6]  }
0x30: {  	[hbm:s17], [sflag:s15] =	dma.local [spmem:s23], $0x2700  }
0x31: {  	_ =	swait.ge [sflag:s22], $0x2700  }
0x32: {  	[sflag:s22] =	ssyncset.done $0x0  }
0x33: {  	s17 =	rddreg [dreg:$0x7];
	[sflag:s22] =	ssyncadd.s32 $0xFFFFD900  }
0x34: {  	[hbm:s17], [sflag:s15] =	dma.local @!p0 [spmem:s24], $0x100  }
0x35: {  	s15 =	simm.s32 @!p0 $0xA  }
0x36: {  	_ =	swait.ge @!p0 [sflag:s15], $0x100  }
0x37: {  	s14 =	sadd.s32 $0x1, s14;
	s20 =	rddreg [dreg:$0x8]  }
0x38: {  	p1 =	sne.s32 s14, s20  }
.Ltmp1:
0x39: {  	_ = 	snop;
	(pc) =	sbr.rel @!p1 .LBB2_7-.Ltmp1, $3  }
0x3a: {  	_ =	sdelay $0x1  }
0x3b: {  	[sflag:s15] =	ssyncset.done @!p0 $0x0  }
0x3c: {  	[sflag:s15] =	ssyncadd.s32 @!p0 $0xFFFFFF00  }
.LBB2_1:
0x3d: {  	s15 =	rddreg [dreg:$0x3];
	s17 =	simm.s32 $0x14000  }
0x3e: {  	[tilespmem:s17], [sflag:$0xA] =	stream.linear.gather [hbm4b:s15+s2], $0x3E80, $0x38;
	[tilespmem:$0x1F800] =	vst v63  }
0x3f: {  	_ =	swait.ge [sflag:s22], $0x3E80  }
0x40: {  	[sflag:s22] =	ssyncset.done $0x0  }
0x41: {  	s20 =	simm.s32 $0x200;
	s15 =	simm.s32 $0x0;
	[sflag:s22] =	ssyncadd.s32 $0xFFFFC180  }
.LBB2_2:
0x42: {  	p1 =	sne.s32 s20, $0x9E00;
	[tilespmem:s15+$0x18070] =	vst v1  }
0x43: {  	[tilespmem:s15+$0x18000] =	vst v1  }
0x44: {  	[tilespmem:s15+$0x18010] =	vst v1  }
.Ltmp2:
0x45: {  	[tilespmem:s15+$0x18020] =	vst v1;
	(pc) =	sbr.rel @p1 .LBB2_2-.Ltmp2, $4  }
0x46: {  	[tilespmem:s15+$0x18030] =	vst v1  }
0x47: {  	[tilespmem:s15+$0x18040] =	vst v1  }
0x48: {  	[tilespmem:s15+$0x18050] =	vst v1  }
0x49: {  	[tilespmem:s15+$0x18060] =	vst v1;
	s15 =	sshra.s32 s20, $0x2;
	s20 =	sadd.s32 $0x200, s20  }
0x4a: {  	[tilespmem:s15+$0x18070] =	vst v1  }
0x4b: {  	[tilespmem:s15+$0x18000] =	vst v1  }
0x4c: {  	[tilespmem:s15+$0x18010] =	vst v1  }
0x4d: {  	[tilespmem:s15+$0x18020] =	vst v1  }
0x4e: {  	[tilespmem:s15+$0x18030] =	vst v1  }
0x4f: {  	[tilespmem:s15+$0x18040] =	vst v1  }
0x50: {  	[tilespmem:s15+$0x18050] =	vst v1  }
0x51: {  	[tilespmem:s15+$0x18060] =	vst v1  }
0x52: {  	[spmem:s12] =	stream.linear.scatter [tilespmem:s25], [sflag:$0xA], $0x2800, $0x38;
	[tilespmem:$0x1F800] =	vst v63  }
0x53: {  	_ =	swait.ge [sflag:s22], $0x2800  }
0x54: {  	[sflag:s22] =	ssyncset.done $0x0  }
0x55: {  	s20 =	rddreg [dreg:$0x9];
	[sflag:s22] =	ssyncadd.s32 $0xFFFFD800  }
0x56: {  	[spmem:s20] =	stream.linear.scatter [tilespmem:s25], [sflag:$0xA], $0x2800, $0x38;
	[tilespmem:$0x1F800] =	vst v63  }
0x57: {  	_ =	swait.ge [sflag:s22], $0x2800  }
0x58: {  	[sflag:s22] =	ssyncset.done $0x0  }
0x59: {  	s17 =	rddreg [dreg:$0xa];
	[sflag:s22] =	ssyncadd.s32 $0xFFFFD800  }
0x5a: {  	[spmem:s17] =	stream.linear.scatter [tilespmem:s25], [sflag:$0xA], $0x2800, $0x38;
	[tilespmem:$0x1F800] =	vst v63  }
0x5b: {  	_ =	swait.ge [sflag:s22], $0x2800  }
0x5c: {  	[sflag:s22] =	ssyncset.done $0x0  }
0x5d: {  	s18 =	rddreg [dreg:$0xb];
	[sflag:s22] =	ssyncadd.s32 $0xFFFFD800  }
0x5e: {  	[spmem:s18] =	stream.linear.scatter [tilespmem:s25], [sflag:$0xA], $0x2800, $0x38;
	[tilespmem:$0x1F800] =	vst v63  }
0x5f: {  	_ =	swait.ge [sflag:s22], $0x2800  }
0x60: {  	[sflag:s22] =	ssyncset.done $0x0  }
0x61: {  	s20 =	rddreg [dreg:$0xc];
	[sflag:s22] =	ssyncadd.s32 $0xFFFFD800  }
0x62: {  	[spmem:s20] =	stream.linear.scatter [tilespmem:s25], [sflag:$0xA], $0x2800, $0x38;
	[tilespmem:$0x1F800] =	vst v63  }
0x63: {  	_ =	swait.ge [sflag:s22], $0x2800  }
0x64: {  	[sflag:s22] =	ssyncset.done $0x0  }
0x65: {  	s17 =	rddreg [dreg:$0xd];
	[sflag:s22] =	ssyncadd.s32 $0xFFFFD800  }
0x66: {  	[spmem:s17] =	stream.linear.scatter [tilespmem:s25], [sflag:$0xA], $0x2800, $0x38;
	[tilespmem:$0x1F800] =	vst v63  }
0x67: {  	_ =	swait.ge [sflag:s22], $0x2800  }
0x68: {  	[sflag:s22] =	ssyncset.done $0x0  }
0x69: {  	s18 =	rddreg [dreg:$0xe];
	[sflag:s22] =	ssyncadd.s32 $0xFFFFD800  }
0x6a: {  	[spmem:s18] =	stream.linear.scatter [tilespmem:s25], [sflag:$0xA], $0x2800, $0x38;
	[tilespmem:$0x1F800] =	vst v63  }
0x6b: {  	_ =	swait.ge [sflag:s22], $0x2800  }
0x6c: {  	[sflag:s22] =	ssyncset.done $0x0  }
0x6d: {  	[sflag:s22] =	ssyncadd.s32 $0xFFFFD800  }
0x6e: {  	[spmem:s19] =	stream.linear.scatter [tilespmem:s25], [sflag:$0xA], $0x2800, $0x38;
	[tilespmem:$0x1F800] =	vst v63  }
0x6f: {  	_ =	swait.ge [sflag:s22], $0x2800  }
0x70: {  	[sflag:s22] =	ssyncset.done $0x0  }
0x71: {  	[sflag:s22] =	ssyncadd.s32 $0xFFFFD800  }
0x72: {  	s15 =	simm.s32 $0x0;
	[bflag:$0x0] =	sbarrier.arrive $0xFFFF  }
0x73: {  	[tilespmem:s26], [sflag:$0x1] =	stream.linear.gather [hbm4b:s5+s15], $0x80, $0x38;
	[tilespmem:$0x1F800] =	vst v63  }
0x74: {  	s17 =	rddreg [dreg:$0x4]  }
0x75: {  	[tilespmem:s28], [sflag:$0x2] =	stream.linear.gather [hbm4b:s17+s15], $0x80, $0x38;
	[tilespmem:$0x1F800] =	vst v63  }
0x76: {  	s20 =	rddreg [dreg:$0x5]  }
0x77: {  	[tilespmem:s29], [sflag:$0x3] =	stream.linear.gather [hbm4b:s20+s15], $0x80, $0x38;
	[tilespmem:$0x1F800] =	vst v63  }
0x78: {  	_ =	swait.ge [sflag:s30], $0x80  }
0x79: {  	[sflag:s30] =	ssyncset.done $0x0  }
0x7a: {  	[sflag:s30] =	ssyncadd.s32 $0xFFFFFF80  }
0x7b: {  	v2 =	vld [tilespmem:$0x17E80]  }
0x7c: {  	v3 =	vld [tilespmem:$0x17E90]  }
0x7d: {  	v4 =	vld [tilespmem:$0x17EA0]  }
0x7e: {  	v5 =	vld [tilespmem:$0x17EB0]  }
0x7f: {  	v6 =	vld [tilespmem:$0x17EC0]  }
0x80: {  	v2 =	vadd.s32 v0, v2  }
0x81: {  	[tilespmem:$0x17E80] =	vst v2;
	v2 =	vadd.s32 v0, v3  }
0x82: {  	[tilespmem:$0x17E90] =	vst v2;
	v2 =	vadd.s32 v0, v4  }
0x83: {  	[tilespmem:$0x17EA0] =	vst v2;
	v2 =	vadd.s32 v0, v5  }
0x84: {  	[tilespmem:$0x17EB0] =	vst v2;
	v2 =	vadd.s32 v0, v6  }
0x85: {  	[tilespmem:$0x17EC0] =	vst v2  }
0x86: {  	[tilespmem:s25], [sflag:$0x4] =	stream.indirect.gather [hbm4b:s4+s31], $0x80, s26, s31, $0xb8;
	[tilespmem:$0x1F800] =	vst v63  }
0x87: {  	_ =	swait.ge [sflag:s0], $0x80  }
0x88: {  	[sflag:s0] =	ssyncset.done $0x0  }
0x89: {  	[sflag:s0] =	ssyncadd.s32 $0xFFFFFF80  }
0x8a: {  	v2 =	vld [tilespmem:$0x17F00]  }
0x8b: {  	v3 =	vld [tilespmem:$0x17F10]  }
0x8c: {  	v61 =	vld [tilespmem:$0x17F20]  }
0x8d: {  	v62 =	vld [tilespmem:$0x17F30]  }
0x8e: {  	v63 =	vld [tilespmem:$0x17F40]  }
0x8f: {  	v2 =	vadd.s32 v0, v2  }
0x90: {  	[tilespmem:$0x17F00] =	vst v2;
	v2 =	vadd.s32 v0, v3  }
0x91: {  	[tilespmem:$0x17F10] =	vst v2;
	v2 =	vadd.s32 v0, v61  }
0x92: {  	[tilespmem:$0x17F20] =	vst v2;
	v2 =	vadd.s32 v0, v62  }
0x93: {  	[tilespmem:$0x17F30] =	vst v2;
	v2 =	vadd.s32 v0, v63  }
0x94: {  	s20 =	smov.u32 s16;
	[tilespmem:$0x17F40] =	vst v2  }
0x95: {  	[tilespmem:s21], [sflag:$0x5] =	stream.indirect.gather [hbm4b:s4+s31], $0x80, s28, s31, $0xb8;
	[tilespmem:$0x1F800] =	vst v63  }
.LBB2_4:
0x96: {  	p1 =	seq.s32 s15, $0x0  }
0x97: {  	s17 =	simm.s32 @!p1 $0x9  }
0x98: {  	_ =	swait.ge @!p1 [sflag:s17], $0x2800  }
0x99: {  	[sflag:s17] =	ssyncset.done @!p1 $0x0  }
0x9a: {  	[sflag:s17] =	ssyncadd.s32 @!p1 $0xFFFFD800  }
0x9b: {  	_ =	swait.ge [sflag:s3], $0x80  }
0x9c: {  	[sflag:s3] =	ssyncset.done $0x0  }
0x9d: {  	[sflag:s3] =	ssyncadd.s32 $0xFFFFFF80  }
0x9e: {  	v2 =	vld [tilespmem:$0x17F80]  }
0x9f: {  	v3 =	vld [tilespmem:$0x17F90]  }
0xa0: {  	v4 =	vld [tilespmem:$0x17FA0]  }
0xa1: {  	v5 =	vld [tilespmem:$0x17FB0]  }
0xa2: {  	v6 =	vld [tilespmem:$0x17FC0]  }
0xa3: {  	v2 =	vadd.s32 v0, v2  }
0xa4: {  	[tilespmem:$0x17F80] =	vst v2;
	v2 =	vadd.s32 v0, v3  }
0xa5: {  	[tilespmem:$0x17F90] =	vst v2;
	v2 =	vadd.s32 v0, v4  }
0xa6: {  	[tilespmem:$0x17FA0] =	vst v2;
	v2 =	vadd.s32 v0, v5  }
0xa7: {  	[tilespmem:$0x17FB0] =	vst v2;
	v2 =	vadd.s32 v0, v6  }
0xa8: {  	[tilespmem:$0x17FC0] =	vst v2  }
0xa9: {  	[tilespmem:s6], [sflag:$0x6] =	stream.indirect.gather [hbm4b:s4+s31], $0x80, s29, s31, $0xb8;
	[tilespmem:$0x1F800] =	vst v63  }
0xaa: {  	_ =	swait.ge [sflag:s7], $0x2800  }
0xab: {  	s17 =	sshra.s32 s15, $0x2;
	[sflag:s7] =	ssyncset.done $0x0  }
0xac: {  	s18 =	sadd.s32 $0x14000, s17;
	[sflag:s7] =	ssyncadd.s32 $0xFFFFD800  }
0xad: {  	[spmem:s1] =	stream.indirect.scatter.add.f32 [tilespmem:s25], [sflag:$0x7], $0x80, s18, s31, $0xb8;
	[tilespmem:$0x1F800] =	vst v63  }
0xae: {  	s18 =	sadd.s32 $0xFFFFFFE0, s20  }
0xaf: {  	[tilespmem:s26], [sflag:$0x1] =	stream.linear.gather [hbm4b:s18+s2], $0x80, $0x38;
	[tilespmem:$0x1F800] =	vst v63  }
0xb0: {  	_ =	swait.ge [sflag:s8], $0x2800  }
0xb1: {  	[sflag:s8] =	ssyncset.done $0x0  }
0xb2: {  	[sflag:s8] =	ssyncadd.s32 $0xFFFFD800  }
0xb3: {  	_ =	swait.ge [sflag:s30], $0x80  }
0xb4: {  	[sflag:s30] =	ssyncset.done $0x0  }
0xb5: {  	[sflag:s30] =	ssyncadd.s32 $0xFFFFFF80  }
0xb6: {  	v2 =	vld [tilespmem:$0x17E80]  }
0xb7: {  	v3 =	vld [tilespmem:$0x17E90]  }
0xb8: {  	v58 =	vld [tilespmem:$0x17EA0]  }
0xb9: {  	v59 =	vld [tilespmem:$0x17EB0]  }
0xba: {  	v60 =	vld [tilespmem:$0x17EC0]  }
0xbb: {  	v2 =	vadd.s32 v0, v2  }
0xbc: {  	[tilespmem:$0x17E80] =	vst v2;
	v2 =	vadd.s32 v0, v3  }
0xbd: {  	[tilespmem:$0x17E90] =	vst v2;
	v2 =	vadd.s32 v0, v58  }
0xbe: {  	[tilespmem:$0x17EA0] =	vst v2;
	v2 =	vadd.s32 v0, v59  }
0xbf: {  	[tilespmem:$0x17EB0] =	vst v2;
	v2 =	vadd.s32 v0, v60  }
0xc0: {  	[tilespmem:$0x17EC0] =	vst v2  }
0xc1: {  	[tilespmem:s25], [sflag:$0x4] =	stream.indirect.gather [hbm4b:s4+s31], $0x80, s26, s31, $0xb8;
	[tilespmem:$0x1F800] =	vst v63  }
0xc2: {  	_ =	swait.ge [sflag:s9], $0x2800  }
0xc3: {  	[sflag:s9] =	ssyncset.done $0x0  }
0xc4: {  	s18 =	sadd.s32 $0x14080, s17;
	[sflag:s9] =	ssyncadd.s32 $0xFFFFD800  }
0xc5: {  	[spmem:s1] =	stream.indirect.scatter.add.f32 [tilespmem:s21], [sflag:$0x8], $0x80, s18, s31, $0xb8;
	[tilespmem:$0x1F800] =	vst v63  }
0xc6: {  	s18 =	sadd.s32 $0xFFFFFFF0, s20  }
0xc7: {  	[tilespmem:s28], [sflag:$0x2] =	stream.linear.gather [hbm4b:s18+s2], $0x80, $0x38;
	[tilespmem:$0x1F800] =	vst v63  }
0xc8: {  	_ =	swait.ge [sflag:s10], $0x2800  }
0xc9: {  	[sflag:s10] =	ssyncset.done $0x0  }
0xca: {  	[sflag:s10] =	ssyncadd.s32 $0xFFFFD800  }
0xcb: {  	_ =	swait.ge [sflag:s0], $0x80  }
0xcc: {  	[sflag:s0] =	ssyncset.done $0x0  }
0xcd: {  	[sflag:s0] =	ssyncadd.s32 $0xFFFFFF80  }
0xce: {  	v2 =	vld [tilespmem:$0x17F00]  }
0xcf: {  	v3 =	vld [tilespmem:$0x17F10]  }
0xd0: {  	v61 =	vld [tilespmem:$0x17F20]  }
0xd1: {  	v62 =	vld [tilespmem:$0x17F30]  }
0xd2: {  	v63 =	vld [tilespmem:$0x17F40]  }
0xd3: {  	v2 =	vadd.s32 v0, v2  }
0xd4: {  	[tilespmem:$0x17F00] =	vst v2;
	v2 =	vadd.s32 v0, v3  }
0xd5: {  	[tilespmem:$0x17F10] =	vst v2;
	v2 =	vadd.s32 v0, v61  }
0xd6: {  	[tilespmem:$0x17F20] =	vst v2;
	v2 =	vadd.s32 v0, v62  }
0xd7: {  	[tilespmem:$0x17F30] =	vst v2;
	v2 =	vadd.s32 v0, v63  }
0xd8: {  	p1 =	seq.s32 s15, $0xF000;
	[tilespmem:$0x17F40] =	vst v2  }
0xd9: {  	[tilespmem:s21], [sflag:$0x5] =	stream.indirect.gather [hbm4b:s4+s31], $0x80, s28, s31, $0xb8;
	[tilespmem:$0x1F800] =	vst v63  }
.Ltmp3:
0xda: {  	_ = 	snop;
	(pc) =	sbr.rel @p1 .LBB2_6-.Ltmp3, $4  }
0xdb: {  	_ =	swait.ge [sflag:s11], $0x2800  }
0xdc: {  	[sflag:s11] =	ssyncset.done $0x0  }
0xdd: {  	s17 =	sadd.s32 $0x14100, s17;
	[sflag:s11] =	ssyncadd.s32 $0xFFFFD800  }
0xde: {  	[spmem:s1] =	stream.indirect.scatter.add.f32 [tilespmem:s6], [sflag:$0x9], $0x80, s17, s31, $0xb8;
	[tilespmem:$0x1F800] =	vst v63  }
.Ltmp4:
0xdf: {  	(pc) =	sbr.rel .LBB2_4-.Ltmp4, $3  }
0xe0: {  	_ =	sdelay $0x1  }
0xe1: {  	[tilespmem:s29], [sflag:$0x3] =	stream.linear.gather [hbm4b:s20+s2], $0x80, $0x38;
	[tilespmem:$0x1F800] =	vst v63  }
0xe2: {  	s15 =	sadd.s32 $0x600, s15;
	s20 =	sadd.s32 $0x30, s20  }
.LBB2_7:
0xe3: {  	_ =	sfence.sel $0x180000  }
0xe4: {  	[bflag:$0x0] =	sbarrier.arrive $0xFFFF  }
0xe5: {  	_ =	strace $0x90000047  }
0xe6: {  	s0 =	stileid.u32;
	[bflag:$0x2] =	sbarrier.arrive $0xFFFF  }
0xe7: {  	p0 =	sne.s32 s0, $0x0;
	s0 =	rddreg [dreg:$0x2]  }
0xe8: {  	s0 =	sadd.s32 @!p0 $0x100000, s0  }
0xe9: {  	[sflag:s0] =	ssyncadd.tile.s32 @!p0 $0x1;
	_ =	shalt  }
.Lfunc_end2:
_tile_overlayer_lowered:
.L_overlay_start_2:
0xea: {  	(tag) =	ssettag $0x2  }
0xeb: {  	s0 =	rddreg [dreg:$0x0];
	s2 =	stileid.u32  }
0xec: {  	s1 =	rddreg [dreg:$0x1];
	p0 =	sne.s32 s2, $0x0  }
0xed: {  	s3 =	rddreg [dreg:$0x2];
	[bflag:$0x3] =	sbarrier.arrive $0xFFFF;
	s2 =	simm.s32 @!p0 $0x1C0A  }
0xee: {  	[timem:s3], [sflag:s2] =	dma.local @!p0 [hbm:s0], s1  }
0xef: {  	s0 =	simm.s32 @!p0 $0xA  }
0xf0: {  	_ =	swait.ge @!p0 [sflag:s0], s1  }
0xf1: {  	s1 =	ssub.s32 @!p0 $0x0, s1;
	[sflag:s0] =	ssyncset.done @!p0 $0x0  }
0xf2: {  	[sflag:s0] =	ssyncadd.s32 @!p0 s1  }
0xf3: {  	[bflag:$0x3] =	sbarrier.arrive $0xFFFF  }
0xf4: {  	_ =	shalt  }

</sc_bundles>
